<compile_context>
chip_gen: v7x
topology: tpu7x:2x2x1
jax: 0.10.2.dev20260603
libtpu: 0.0.44.dev20260713+nightly
codegen_flags: <defaults>
</compile_context>

<pallas_src>
import functools

import jax
import jax.numpy as jnp
from jax import lax
from jax.experimental import pallas as pl
from jax.experimental.pallas import tpu as pltpu
from jax.experimental.pallas import tpu_sc as plsc

D = 64
LANES = 16
SEQ = 200
NBUF = 4


@functools.lru_cache(maxsize=None)
def _build(n_seq: int, vocab: int, max_seq: int):
    mesh = plsc.VectorSubcoreMesh(core_axis_name="c", subcore_axis_name="s")
    info = plsc.get_sparse_core_info()
    nc, ns = info.num_cores, info.num_subcores
    nw = nc * ns
    assert n_seq % (nw * NBUF) == 0
    seq_per_w = n_seq // nw
    n_blks = seq_per_w // NBUF

    @functools.partial(
        pl.kernel,
        out_type=jax.ShapeDtypeStruct((n_seq, SEQ, D), jnp.float32),
        mesh=mesh,
        scratch_types=[
            pltpu.VMEM((seq_per_w, SEQ), jnp.int32),
            pltpu.VMEM((NBUF, SEQ, D), jnp.float32),
            pltpu.VMEM((max_seq, D), jnp.float32),
            pltpu.SemaphoreType.DMA,
            pltpu.SemaphoreType.DMA,
        ],
        compiler_params=pltpu.CompilerParams(use_tc_tiling_on_sc=False),
    )
    def k(token_hbm, wt_hbm, pos_hbm, out_hbm, idx_all, bufs, pos_v, gsem, wsem):
        wid = lax.axis_index("s") * nc + lax.axis_index("c")
        seq0 = wid * seq_per_w
        pltpu.sync_copy(pos_hbm, pos_v)
        pltpu.sync_copy(token_hbm.at[pl.ds(seq0, seq_per_w)], idx_all)

        def issue_gather(c, b):
            pltpu.async_copy(wt_hbm.at[idx_all.at[c]], bufs.at[b], gsem)

        def drain(sem, b):
            pltpu.make_async_copy(out_hbm.at[0], bufs.at[b], sem).wait()

        for t in range(NBUF - 1):
            issue_gather(t, t)

        def blk_body(blk, carry):
            for b in range(NBUF):
                c = blk * NBUF + b
                drain(gsem, b)

                def row_body(rr, c2, _b=b):
                    for u in range(2):
                        r = rr * 2 + u
                        for j in range(D // LANES):
                            sl = pl.ds(j * LANES, LANES)
                            bufs[_b, r, sl] = (
                                bufs[_b, r, sl] * 8.0 + pos_v[r, sl]
                            )
                    return c2

                lax.fori_loop(0, SEQ // 2, row_body, 0)
                pltpu.async_copy(bufs.at[b], out_hbm.at[seq0 + c], wsem)

                nxt = c + NBUF - 1
                nb = (b + NBUF - 1) % NBUF

                @pl.when(nxt < seq_per_w)
                def _():
                    @pl.when(c >= 1)
                    def _():
                        drain(wsem, nb)

                    issue_gather(nxt, nb)

            return carry

        lax.fori_loop(0, n_blks, blk_body, 0)

        for t in range(NBUF):
            drain(wsem, t)

    return k


def kernel(token, word_table, pos_table):
    b, s = token.shape
    vocab, d = word_table.shape
    max_seq = pos_table.shape[0]
    assert d == D and s == SEQ and max_seq == SEQ
    return _build(b, vocab, max_seq)(token, word_table, pos_table)

# --- scband reference (transcript-rebuilt; emitter-appended) ---
"""Pipeline reference for scband-token-embedding-11982958755999 (READ-ONLY COPY).

The authoritative reference and input builder live on the scoring server;
editing this copy changes nothing except your own understanding.
"""

import jax, jax.numpy as jnp
import numpy as np

VOCAB = 1000000
D_MODEL = 64
MAX_SEQ = 200
BATCH = 1024
SEQ = 200

def setup_inputs(seed: int = 0) -> dict:
    key = jax.random.key(seed)
    k1, k2, k3 = jax.random.split(key, 3)
    token = jax.random.randint(k1, (BATCH, SEQ), 0, VOCAB, dtype=jnp.int64 if jax.config.jax_enable_x64 else jnp.int32).astype(jnp.int32)
    word_table = jax.random.normal(k2, (VOCAB, D_MODEL), dtype=jnp.float32)
    pos_table = jax.random.normal(k3, (MAX_SEQ, D_MODEL), dtype=jnp.float32)
    return {"token": token, "word_table": word_table, "pos_table": pos_table}

def reference(token, word_table, pos_table):
    # TokenEmbedding.forward with learn_positions=True, dropout in eval mode (identity)
    sqr_d_model = np.sqrt(D_MODEL).astype(np.float32)
    seq_len = token.shape[-1]
    # word embedding gather, scaled by sqrt(d_model)
    word_embed = jnp.take(word_table, token, axis=0) * sqr_d_model  # [B, S, D]
    # learned position embedding: positions = arange(max_seq_len)[None, :seq_len]
    positions = jnp.arange(MAX_SEQ)[None, :][:, :seq_len]  # [1, S]
    pos_embed = jnp.take(pos_table, positions, axis=0)  # [1, S, D]
    out = word_embed + pos_embed
    return out

if __name__ == "__main__":
    import jax
    _d = setup_inputs()
    print(jax.jit(kernel)(*tuple(_d.values())))

</pallas_src>

<mosaic_0001>
#map = affine_map<(d0, d1) -> (0, 0)>
#map1 = affine_map<(d0, d1) -> (0, 0, 0)>
module attributes {stable_mosaic.version = 14 : i64} {
  func.func @k(%arg0: i32, %arg1: i32, %arg2: memref<1024x200xi32, #tpu.memory_space<hbm>>, %arg3: memref<1000000x64xf32, #tpu.memory_space<hbm>>, %arg4: memref<200x64xf32, #tpu.memory_space<hbm>>, %arg5: memref<1024x200x64xf32, #tpu.memory_space<hbm>>, %arg6: memref<32x200xi32, #tpu.memory_space<vmem>>, %arg7: memref<4x200x64xf32, #tpu.memory_space<vmem>>, %arg8: memref<200x64xf32, #tpu.memory_space<vmem>>, %arg9: memref<!tpu.dma_semaphore, #tpu.memory_space<semaphore_mem>>, %arg10: memref<!tpu.dma_semaphore, #tpu.memory_space<semaphore_mem>>) attributes {dimension_semantics = [#tpu.dimension_semantics<core_parallel>, #tpu.dimension_semantics<subcore_parallel>], iteration_bounds = array<i64: 2, 16>, scalar_prefetch = 0 : i64, scratch_operands = 5 : i64, tpu.core_type = #tpu.core_type<sc_vector_subcore>, window_params = [{transform_indices = #map}, {transform_indices = #map}, {transform_indices = #map}, {transform_indices = #map1}]} {
    %mul3A = arith.constant 2 : i32
    %mul3A_0 = arith.muli %arg1, %mul3A : i32
    %add3A = arith.addi %mul3A_0, %arg0 : i32
    %mul3A_1 = arith.constant 32 : i32
    %mul3A_2 = arith.muli %add3A, %mul3A_1 : i32
    "tpu.region"() ({
      %run_scoped3A = tpu.sem_alloc : memref<!tpu.dma_semaphore, #tpu.memory_space<semaphore_mem>>
      tpu.enqueue_dma source(%arg4 : memref<200x64xf32, #tpu.memory_space<hbm>>) target(%arg8 : memref<200x64xf32, #tpu.memory_space<vmem>>) target_semaphore(%run_scoped3A : memref<!tpu.dma_semaphore, #tpu.memory_space<semaphore_mem>>)
      tpu.wait_dma2 semaphore(%run_scoped3A : memref<!tpu.dma_semaphore, #tpu.memory_space<semaphore_mem>>) src(%arg4 : memref<200x64xf32, #tpu.memory_space<hbm>>) dst(%arg8 : memref<200x64xf32, #tpu.memory_space<vmem>>)
      tpu.yield
    }) : () -> ()
    "tpu.region"() ({
      %run_scoped3A = tpu.sem_alloc : memref<!tpu.dma_semaphore, #tpu.memory_space<semaphore_mem>>
      %dma_start3A_114 = arith.constant 0 : i32
      %dma_start3A_115 = tpu.memref_slice %arg2[%mul3A_2, %dma_start3A_114] : memref<1024x200xi32, #tpu.memory_space<hbm>> -> memref<32x200xi32, #tpu.memory_space<hbm>>
      %dma_start3A_116 = arith.constant 0 : i32
      %dma_start3A_117 = tpu.memref_slice %arg2[%mul3A_2, %dma_start3A_116] : memref<1024x200xi32, #tpu.memory_space<hbm>> -> memref<32x200xi32, #tpu.memory_space<hbm>>
      tpu.enqueue_dma source(%dma_start3A_117 : memref<32x200xi32, #tpu.memory_space<hbm>>) target(%arg6 : memref<32x200xi32, #tpu.memory_space<vmem>>) target_semaphore(%run_scoped3A : memref<!tpu.dma_semaphore, #tpu.memory_space<semaphore_mem>>)
      %dma_wait3A_118 = arith.constant 0 : i32
      %dma_wait3A_119 = tpu.memref_slice %arg2[%mul3A_2, %dma_wait3A_118] : memref<1024x200xi32, #tpu.memory_space<hbm>> -> memref<32x200xi32, #tpu.memory_space<hbm>>
      %dma_wait3A_120 = arith.constant 0 : i32
      %dma_wait3A_121 = tpu.memref_slice %arg2[%mul3A_2, %dma_wait3A_120] : memref<1024x200xi32, #tpu.memory_space<hbm>> -> memref<32x200xi32, #tpu.memory_space<hbm>>
      tpu.wait_dma2 semaphore(%run_scoped3A : memref<!tpu.dma_semaphore, #tpu.memory_space<semaphore_mem>>) src(%dma_wait3A_121 : memref<32x200xi32, #tpu.memory_space<hbm>>) dst(%arg6 : memref<32x200xi32, #tpu.memory_space<vmem>>)
      tpu.yield
    }) : () -> ()
    %dma_start3A = arith.constant 0 : i32
    %dma_start3A_3 = arith.constant 0 : i32
    %dma_start3A_4 = arith.constant 0 : i32
    %dma_start3A_5 = arith.constant 0 : i32
    %dma_start3A_6 = tpu.memref_slice %arg7[%dma_start3A_3, %dma_start3A_4, %dma_start3A_5] : memref<4x200x64xf32, #tpu.memory_space<vmem>> -> memref<1x200x64xf32, #tpu.memory_space<vmem>>
    %dma_start3A_7 = tpu.memref_squeeze %dma_start3A_6 : memref<1x200x64xf32, #tpu.memory_space<vmem>> -> memref<200x64xf32, #tpu.memory_space<vmem>>
    %dma_start3A_8 = arith.constant 0 : i32
    %dma_start3A_9 = tpu.memref_slice %arg6[%dma_start3A, %dma_start3A_8] : memref<32x200xi32, #tpu.memory_space<vmem>> -> memref<1x200xi32, #tpu.memory_space<vmem>>
    %dma_start3A_10 = tpu.memref_squeeze %dma_start3A_9 : memref<1x200xi32, #tpu.memory_space<vmem>> -> memref<200xi32, #tpu.memory_space<vmem>>
    %dma_start3A_11 = arith.constant 0 : i32
    %dma_start3A_12 = arith.constant 0 : i32
    %dma_start3A_13 = tpu.memref_slice %arg3[%dma_start3A_11, %dma_start3A_12] : memref<1000000x64xf32, #tpu.memory_space<hbm>> -> memref<1000000x64xf32, #tpu.memory_space<hbm>>
    tpu.enqueue_indirect_dma source(%dma_start3A_13 : memref<1000000x64xf32, #tpu.memory_space<hbm>>) target(%dma_start3A_7 : memref<200x64xf32, #tpu.memory_space<vmem>>) offsets(%dma_start3A_10 : memref<200xi32, #tpu.memory_space<vmem>>) semaphore(%arg9 : memref<!tpu.dma_semaphore, #tpu.memory_space<semaphore_mem>>)
    %dma_start3A_14 = arith.constant 1 : i32
    %dma_start3A_15 = arith.constant 1 : i32
    %dma_start3A_16 = arith.constant 0 : i32
    %dma_start3A_17 = arith.constant 0 : i32
    %dma_start3A_18 = tpu.memref_slice %arg7[%dma_start3A_15, %dma_start3A_16, %dma_start3A_17] : memref<4x200x64xf32, #tpu.memory_space<vmem>> -> memref<1x200x64xf32, #tpu.memory_space<vmem>>
    %dma_start3A_19 = tpu.memref_squeeze %dma_start3A_18 : memref<1x200x64xf32, #tpu.memory_space<vmem>> -> memref<200x64xf32, #tpu.memory_space<vmem>>
    %dma_start3A_20 = arith.constant 0 : i32
    %dma_start3A_21 = tpu.memref_slice %arg6[%dma_start3A_14, %dma_start3A_20] : memref<32x200xi32, #tpu.memory_space<vmem>> -> memref<1x200xi32, #tpu.memory_space<vmem>>
    %dma_start3A_22 = tpu.memref_squeeze %dma_start3A_21 : memref<1x200xi32, #tpu.memory_space<vmem>> -> memref<200xi32, #tpu.memory_space<vmem>>
    %dma_start3A_23 = arith.constant 0 : i32
    %dma_start3A_24 = arith.constant 0 : i32
    %dma_start3A_25 = tpu.memref_slice %arg3[%dma_start3A_23, %dma_start3A_24] : memref<1000000x64xf32, #tpu.memory_space<hbm>> -> memref<1000000x64xf32, #tpu.memory_space<hbm>>
    tpu.enqueue_indirect_dma source(%dma_start3A_25 : memref<1000000x64xf32, #tpu.memory_space<hbm>>) target(%dma_start3A_19 : memref<200x64xf32, #tpu.memory_space<vmem>>) offsets(%dma_start3A_22 : memref<200xi32, #tpu.memory_space<vmem>>) semaphore(%arg9 : memref<!tpu.dma_semaphore, #tpu.memory_space<semaphore_mem>>)
    %dma_start3A_26 = arith.constant 2 : i32
    %dma_start3A_27 = arith.constant 2 : i32
    %dma_start3A_28 = arith.constant 0 : i32
    %dma_start3A_29 = arith.constant 0 : i32
    %dma_start3A_30 = tpu.memref_slice %arg7[%dma_start3A_27, %dma_start3A_28, %dma_start3A_29] : memref<4x200x64xf32, #tpu.memory_space<vmem>> -> memref<1x200x64xf32, #tpu.memory_space<vmem>>
    %dma_start3A_31 = tpu.memref_squeeze %dma_start3A_30 : memref<1x200x64xf32, #tpu.memory_space<vmem>> -> memref<200x64xf32, #tpu.memory_space<vmem>>
    %dma_start3A_32 = arith.constant 0 : i32
    %dma_start3A_33 = tpu.memref_slice %arg6[%dma_start3A_26, %dma_start3A_32] : memref<32x200xi32, #tpu.memory_space<vmem>> -> memref<1x200xi32, #tpu.memory_space<vmem>>
    %dma_start3A_34 = tpu.memref_squeeze %dma_start3A_33 : memref<1x200xi32, #tpu.memory_space<vmem>> -> memref<200xi32, #tpu.memory_space<vmem>>
    %dma_start3A_35 = arith.constant 0 : i32
    %dma_start3A_36 = arith.constant 0 : i32
    %dma_start3A_37 = tpu.memref_slice %arg3[%dma_start3A_35, %dma_start3A_36] : memref<1000000x64xf32, #tpu.memory_space<hbm>> -> memref<1000000x64xf32, #tpu.memory_space<hbm>>
    tpu.enqueue_indirect_dma source(%dma_start3A_37 : memref<1000000x64xf32, #tpu.memory_space<hbm>>) target(%dma_start3A_31 : memref<200x64xf32, #tpu.memory_space<vmem>>) offsets(%dma_start3A_34 : memref<200xi32, #tpu.memory_space<vmem>>) semaphore(%arg9 : memref<!tpu.dma_semaphore, #tpu.memory_space<semaphore_mem>>)
    %scan3A = arith.constant 0 : i32
    %scan3A_38 = arith.constant 0 : i32
    %scan3A_39 = arith.constant 8 : i32
    %scan3A_40 = arith.addi %scan3A_38, %scan3A_39 : i32
    %scan3A_41 = arith.constant 1 : i32
    scf.for %scan3A_114 = %scan3A_38 to %scan3A_40 step %scan3A_41  : i32 {
      %mul3A_115 = arith.constant 4 : i32
      %mul3A_116 = arith.muli %scan3A_114, %mul3A_115 : i32
      %add3A_117 = arith.constant 0 : i32
      %add3A_118 = arith.addi %mul3A_116, %add3A_117 : i32
      %dma_wait3A_119 = arith.constant 0 : i32
      %dma_wait3A_120 = arith.constant 0 : i32
      %dma_wait3A_121 = arith.constant 0 : i32
      %dma_wait3A_122 = arith.constant 0 : i32
      %dma_wait3A_123 = tpu.memref_slice %arg7[%dma_wait3A_120, %dma_wait3A_121, %dma_wait3A_122] : memref<4x200x64xf32, #tpu.memory_space<vmem>> -> memref<1x200x64xf32, #tpu.memory_space<vmem>>
      %dma_wait3A_124 = tpu.memref_squeeze %dma_wait3A_123 : memref<1x200x64xf32, #tpu.memory_space<vmem>> -> memref<200x64xf32, #tpu.memory_space<vmem>>
      %dma_wait3A_125 = arith.constant 0 : i32
      %dma_wait3A_126 = arith.constant 0 : i32
      %dma_wait3A_127 = tpu.memref_slice %arg5[%dma_wait3A_119, %dma_wait3A_125, %dma_wait3A_126] : memref<1024x200x64xf32, #tpu.memory_space<hbm>> -> memref<1x200x64xf32, #tpu.memory_space<hbm>>
      %dma_wait3A_128 = tpu.memref_squeeze %dma_wait3A_127 : memref<1x200x64xf32, #tpu.memory_space<hbm>> -> memref<200x64xf32, #tpu.memory_space<hbm>>
      %dma_wait3A_129 = arith.constant 0 : i32
      %dma_wait3A_130 = arith.constant 0 : i32
      %dma_wait3A_131 = tpu.memref_slice %arg7[%dma_wait3A_120, %dma_wait3A_129, %dma_wait3A_130] : memref<4x200x64xf32, #tpu.memory_space<vmem>> -> memref<1x200x64xf32, #tpu.memory_space<vmem>>
      %dma_wait3A_132 = tpu.memref_squeeze %dma_wait3A_131 : memref<1x200x64xf32, #tpu.memory_space<vmem>> -> memref<200x64xf32, #tpu.memory_space<vmem>>
      %dma_wait3A_133 = arith.constant 0 : i32
      %dma_wait3A_134 = arith.constant 0 : i32
      %dma_wait3A_135 = tpu.memref_slice %arg5[%dma_wait3A_119, %dma_wait3A_133, %dma_wait3A_134] : memref<1024x200x64xf32, #tpu.memory_space<hbm>> -> memref<1x200x64xf32, #tpu.memory_space<hbm>>
      %dma_wait3A_136 = tpu.memref_squeeze %dma_wait3A_135 : memref<1x200x64xf32, #tpu.memory_space<hbm>> -> memref<200x64xf32, #tpu.memory_space<hbm>>
      tpu.wait_dma2 semaphore(%arg9 : memref<!tpu.dma_semaphore, #tpu.memory_space<semaphore_mem>>) src(%dma_wait3A_136 : memref<200x64xf32, #tpu.memory_space<hbm>>) dst(%dma_wait3A_132 : memref<200x64xf32, #tpu.memory_space<vmem>>)
      %scan3A_137 = arith.constant 0 : i32
      %scan3A_138 = arith.constant 0 : i32
      %scan3A_139 = arith.constant 100 : i32
      %scan3A_140 = arith.addi %scan3A_138, %scan3A_139 : i32
      %scan3A_141 = arith.constant 1 : i32
      scf.for %scan3A_331 = %scan3A_138 to %scan3A_140 step %scan3A_141  : i32 {
        %mul3A_332 = arith.constant 2 : i32
        %mul3A_333 = arith.muli %scan3A_331, %mul3A_332 : i32
        %add3A_334 = arith.constant 0 : i32
        %add3A_335 = arith.addi %mul3A_333, %add3A_334 : i32
        %get3A = arith.constant 0 : i32
        %get3A_336 = arith.index_cast %get3A : i32 to index
        %get3A_337 = arith.index_cast %add3A_335 : i32 to index
        %get3A_338 = arith.constant 0 : index
        %get3A_339 = tpu.vector_load %arg7[%get3A_336, %get3A_337, %get3A_338] {strides = array<i32>} : memref<4x200x64xf32, #tpu.memory_space<vmem>>, vector<1x1x16xf32>,
        %get3A_340 = vector.shape_cast %get3A_339 : vector<1x1x16xf32> to vector<16xf32>
        %mul3A_341 = arith.constant 8.000000e+00 : f32
        %mul3A_342 = vector.broadcast %mul3A_341 : f32 to vector<16xf32>
        %mul3A_343 = arith.mulf %get3A_340, %mul3A_342 : vector<16xf32>
        %get3A_344 = arith.index_cast %add3A_335 : i32 to index
        %get3A_345 = arith.constant 0 : index
        %get3A_346 = tpu.vector_load %arg8[%get3A_344, %get3A_345] {strides = array<i32>} : memref<200x64xf32, #tpu.memory_space<vmem>>, vector<1x16xf32>,
        %get3A_347 = vector.shape_cast %get3A_346 : vector<1x16xf32> to vector<16xf32>
        %add3A_348 = arith.addf %mul3A_343, %get3A_347 : vector<16xf32>
        %swap3A = arith.constant 0 : i32
        %swap3A_349 = arith.index_cast %swap3A : i32 to index
        %swap3A_350 = arith.index_cast %add3A_335 : i32 to index
        %swap3A_351 = arith.constant 0 : index
        %swap3A_352 = tpu.vector_load %arg7[%swap3A_349, %swap3A_350, %swap3A_351] {strides = array<i32>} : memref<4x200x64xf32, #tpu.memory_space<vmem>>, vector<1x1x16xf32>,
        %swap3A_353 = vector.shape_cast %swap3A_352 : vector<1x1x16xf32> to vector<16xf32>
        %swap3A_354 = vector.shape_cast %add3A_348 : vector<16xf32> to vector<1x1x16xf32>
        tpu.vector_store %arg7[%swap3A_349, %swap3A_350, %swap3A_351], %swap3A_354 {strides = array<i32>} : memref<4x200x64xf32, #tpu.memory_space<vmem>>, vector<1x1x16xf32>,
        %get3A_355 = arith.constant 0 : i32
        %get3A_356 = arith.index_cast %get3A_355 : i32 to index
        %get3A_357 = arith.index_cast %add3A_335 : i32 to index
        %get3A_358 = arith.constant 16 : index
        %get3A_359 = tpu.vector_load %arg7[%get3A_356, %get3A_357, %get3A_358] {strides = array<i32>} : memref<4x200x64xf32, #tpu.memory_space<vmem>>, vector<1x1x16xf32>,
        %get3A_360 = vector.shape_cast %get3A_359 : vector<1x1x16xf32> to vector<16xf32>
        %mul3A_361 = arith.constant 8.000000e+00 : f32
        %mul3A_362 = vector.broadcast %mul3A_361 : f32 to vector<16xf32>
        %mul3A_363 = arith.mulf %get3A_360, %mul3A_362 : vector<16xf32>
        %get3A_364 = arith.index_cast %add3A_335 : i32 to index
        %get3A_365 = arith.constant 16 : index
        %get3A_366 = tpu.vector_load %arg8[%get3A_364, %get3A_365] {strides = array<i32>} : memref<200x64xf32, #tpu.memory_space<vmem>>, vector<1x16xf32>,
        %get3A_367 = vector.shape_cast %get3A_366 : vector<1x16xf32> to vector<16xf32>
        %add3A_368 = arith.addf %mul3A_363, %get3A_367 : vector<16xf32>
        %swap3A_369 = arith.constant 0 : i32
        %swap3A_370 = arith.index_cast %swap3A_369 : i32 to index
        %swap3A_371 = arith.index_cast %add3A_335 : i32 to index
        %swap3A_372 = arith.constant 16 : index
        %swap3A_373 = tpu.vector_load %arg7[%swap3A_370, %swap3A_371, %swap3A_372] {strides = array<i32>} : memref<4x200x64xf32, #tpu.memory_space<vmem>>, vector<1x1x16xf32>,
        %swap3A_374 = vector.shape_cast %swap3A_373 : vector<1x1x16xf32> to vector<16xf32>
        %swap3A_375 = vector.shape_cast %add3A_368 : vector<16xf32> to vector<1x1x16xf32>
        tpu.vector_store %arg7[%swap3A_370, %swap3A_371, %swap3A_372], %swap3A_375 {strides = array<i32>} : memref<4x200x64xf32, #tpu.memory_space<vmem>>, vector<1x1x16xf32>,
        %get3A_376 = arith.constant 0 : i32
        %get3A_377 = arith.index_cast %get3A_376 : i32 to index
        %get3A_378 = arith.index_cast %add3A_335 : i32 to index
        %get3A_379 = arith.constant 32 : index
        %get3A_380 = tpu.vector_load %arg7[%get3A_377, %get3A_378, %get3A_379] {strides = array<i32>} : memref<4x200x64xf32, #tpu.memory_space<vmem>>, vector<1x1x16xf32>,
        %get3A_381 = vector.shape_cast %get3A_380 : vector<1x1x16xf32> to vector<16xf32>
        %mul3A_382 = arith.constant 8.000000e+00 : f32
        %mul3A_383 = vector.broadcast %mul3A_382 : f32 to vector<16xf32>
        %mul3A_384 = arith.mulf %get3A_381, %mul3A_383 : vector<16xf32>
        %get3A_385 = arith.index_cast %add3A_335 : i32 to index
        %get3A_386 = arith.constant 32 : index
        %get3A_387 = tpu.vector_load %arg8[%get3A_385, %get3A_386] {strides = array<i32>} : memref<200x64xf32, #tpu.memory_space<vmem>>, vector<1x16xf32>,
        %get3A_388 = vector.shape_cast %get3A_387 : vector<1x16xf32> to vector<16xf32>
        %add3A_389 = arith.addf %mul3A_384, %get3A_388 : vector<16xf32>
        %swap3A_390 = arith.constant 0 : i32
        %swap3A_391 = arith.index_cast %swap3A_390 : i32 to index
        %swap3A_392 = arith.index_cast %add3A_335 : i32 to index
        %swap3A_393 = arith.constant 32 : index
        %swap3A_394 = tpu.vector_load %arg7[%swap3A_391, %swap3A_392, %swap3A_393] {strides = array<i32>} : memref<4x200x64xf32, #tpu.memory_space<vmem>>, vector<1x1x16xf32>,
        %swap3A_395 = vector.shape_cast %swap3A_394 : vector<1x1x16xf32> to vector<16xf32>
        %swap3A_396 = vector.shape_cast %add3A_389 : vector<16xf32> to vector<1x1x16xf32>
        tpu.vector_store %arg7[%swap3A_391, %swap3A_392, %swap3A_393], %swap3A_396 {strides = array<i32>} : memref<4x200x64xf32, #tpu.memory_space<vmem>>, vector<1x1x16xf32>,
        %get3A_397 = arith.constant 0 : i32
        %get3A_398 = arith.index_cast %get3A_397 : i32 to index
        %get3A_399 = arith.index_cast %add3A_335 : i32 to index
        %get3A_400 = arith.constant 48 : index
        %get3A_401 = tpu.vector_load %arg7[%get3A_398, %get3A_399, %get3A_400] {strides = array<i32>} : memref<4x200x64xf32, #tpu.memory_space<vmem>>, vector<1x1x16xf32>,
        %get3A_402 = vector.shape_cast %get3A_401 : vector<1x1x16xf32> to vector<16xf32>
        %mul3A_403 = arith.constant 8.000000e+00 : f32
        %mul3A_404 = vector.broadcast %mul3A_403 : f32 to vector<16xf32>
        %mul3A_405 = arith.mulf %get3A_402, %mul3A_404 : vector<16xf32>
        %get3A_406 = arith.index_cast %add3A_335 : i32 to index
        %get3A_407 = arith.constant 48 : index
        %get3A_408 = tpu.vector_load %arg8[%get3A_406, %get3A_407] {strides = array<i32>} : memref<200x64xf32, #tpu.memory_space<vmem>>, vector<1x16xf32>,
        %get3A_409 = vector.shape_cast %get3A_408 : vector<1x16xf32> to vector<16xf32>
        %add3A_410 = arith.addf %mul3A_405, %get3A_409 : vector<16xf32>
        %swap3A_411 = arith.constant 0 : i32
        %swap3A_412 = arith.index_cast %swap3A_411 : i32 to index
        %swap3A_413 = arith.index_cast %add3A_335 : i32 to index
        %swap3A_414 = arith.constant 48 : index
        %swap3A_415 = tpu.vector_load %arg7[%swap3A_412, %swap3A_413, %swap3A_414] {strides = array<i32>} : memref<4x200x64xf32, #tpu.memory_space<vmem>>, vector<1x1x16xf32>,
        %swap3A_416 = vector.shape_cast %swap3A_415 : vector<1x1x16xf32> to vector<16xf32>
        %swap3A_417 = vector.shape_cast %add3A_410 : vector<16xf32> to vector<1x1x16xf32>
        tpu.vector_store %arg7[%swap3A_412, %swap3A_413, %swap3A_414], %swap3A_417 {strides = array<i32>} : memref<4x200x64xf32, #tpu.memory_space<vmem>>, vector<1x1x16xf32>,
        %mul3A_418 = arith.constant 2 : i32
        %mul3A_419 = arith.muli %scan3A_331, %mul3A_418 : i32
        %add3A_420 = arith.constant 1 : i32
        %add3A_421 = arith.addi %mul3A_419, %add3A_420 : i32
        %get3A_422 = arith.constant 0 : i32
        %get3A_423 = arith.index_cast %get3A_422 : i32 to index
        %get3A_424 = arith.index_cast %add3A_421 : i32 to index
        %get3A_425 = arith.constant 0 : index
        %get3A_426 = tpu.vector_load %arg7[%get3A_423, %get3A_424, %get3A_425] {strides = array<i32>} : memref<4x200x64xf32, #tpu.memory_space<vmem>>, vector<1x1x16xf32>,
        %get3A_427 = vector.shape_cast %get3A_426 : vector<1x1x16xf32> to vector<16xf32>
        %mul3A_428 = arith.constant 8.000000e+00 : f32
        %mul3A_429 = vector.broadcast %mul3A_428 : f32 to vector<16xf32>
        %mul3A_430 = arith.mulf %get3A_427, %mul3A_429 : vector<16xf32>
        %get3A_431 = arith.index_cast %add3A_421 : i32 to index
        %get3A_432 = arith.constant 0 : index
        %get3A_433 = tpu.vector_load %arg8[%get3A_431, %get3A_432] {strides = array<i32>} : memref<200x64xf32, #tpu.memory_space<vmem>>, vector<1x16xf32>,
        %get3A_434 = vector.shape_cast %get3A_433 : vector<1x16xf32> to vector<16xf32>
        %add3A_435 = arith.addf %mul3A_430, %get3A_434 : vector<16xf32>
        %swap3A_436 = arith.constant 0 : i32
        %swap3A_437 = arith.index_cast %swap3A_436 : i32 to index
        %swap3A_438 = arith.index_cast %add3A_421 : i32 to index
        %swap3A_439 = arith.constant 0 : index
        %swap3A_440 = tpu.vector_load %arg7[%swap3A_437, %swap3A_438, %swap3A_439] {strides = array<i32>} : memref<4x200x64xf32, #tpu.memory_space<vmem>>, vector<1x1x16xf32>,
        %swap3A_441 = vector.shape_cast %swap3A_440 : vector<1x1x16xf32> to vector<16xf32>
        %swap3A_442 = vector.shape_cast %add3A_435 : vector<16xf32> to vector<1x1x16xf32>
        tpu.vector_store %arg7[%swap3A_437, %swap3A_438, %swap3A_439], %swap3A_442 {strides = array<i32>} : memref<4x200x64xf32, #tpu.memory_space<vmem>>, vector<1x1x16xf32>,
        %get3A_443 = arith.constant 0 : i32
        %get3A_444 = arith.index_cast %get3A_443 : i32 to index
        %get3A_445 = arith.index_cast %add3A_421 : i32 to index
        %get3A_446 = arith.constant 16 : index
        %get3A_447 = tpu.vector_load %arg7[%get3A_444, %get3A_445, %get3A_446] {strides = array<i32>} : memref<4x200x64xf32, #tpu.memory_space<vmem>>, vector<1x1x16xf32>,
        %get3A_448 = vector.shape_cast %get3A_447 : vector<1x1x16xf32> to vector<16xf32>
        %mul3A_449 = arith.constant 8.000000e+00 : f32
        %mul3A_450 = vector.broadcast %mul3A_449 : f32 to vector<16xf32>
        %mul3A_451 = arith.mulf %get3A_448, %mul3A_450 : vector<16xf32>
        %get3A_452 = arith.index_cast %add3A_421 : i32 to index
        %get3A_453 = arith.constant 16 : index
        %get3A_454 = tpu.vector_load %arg8[%get3A_452, %get3A_453] {strides = array<i32>} : memref<200x64xf32, #tpu.memory_space<vmem>>, vector<1x16xf32>,
        %get3A_455 = vector.shape_cast %get3A_454 : vector<1x16xf32> to vector<16xf32>
        %add3A_456 = arith.addf %mul3A_451, %get3A_455 : vector<16xf32>
        %swap3A_457 = arith.constant 0 : i32
        %swap3A_458 = arith.index_cast %swap3A_457 : i32 to index
        %swap3A_459 = arith.index_cast %add3A_421 : i32 to index
        %swap3A_460 = arith.constant 16 : index
        %swap3A_461 = tpu.vector_load %arg7[%swap3A_458, %swap3A_459, %swap3A_460] {strides = array<i32>} : memref<4x200x64xf32, #tpu.memory_space<vmem>>, vector<1x1x16xf32>,
        %swap3A_462 = vector.shape_cast %swap3A_461 : vector<1x1x16xf32> to vector<16xf32>
        %swap3A_463 = vector.shape_cast %add3A_456 : vector<16xf32> to vector<1x1x16xf32>
        tpu.vector_store %arg7[%swap3A_458, %swap3A_459, %swap3A_460], %swap3A_463 {strides = array<i32>} : memref<4x200x64xf32, #tpu.memory_space<vmem>>, vector<1x1x16xf32>,
        %get3A_464 = arith.constant 0 : i32
        %get3A_465 = arith.index_cast %get3A_464 : i32 to index
        %get3A_466 = arith.index_cast %add3A_421 : i32 to index
        %get3A_467 = arith.constant 32 : index
        %get3A_468 = tpu.vector_load %arg7[%get3A_465, %get3A_466, %get3A_467] {strides = array<i32>} : memref<4x200x64xf32, #tpu.memory_space<vmem>>, vector<1x1x16xf32>,
        %get3A_469 = vector.shape_cast %get3A_468 : vector<1x1x16xf32> to vector<16xf32>
        %mul3A_470 = arith.constant 8.000000e+00 : f32
        %mul3A_471 = vector.broadcast %mul3A_470 : f32 to vector<16xf32>
        %mul3A_472 = arith.mulf %get3A_469, %mul3A_471 : vector<16xf32>
        %get3A_473 = arith.index_cast %add3A_421 : i32 to index
        %get3A_474 = arith.constant 32 : index
        %get3A_475 = tpu.vector_load %arg8[%get3A_473, %get3A_474] {strides = array<i32>} : memref<200x64xf32, #tpu.memory_space<vmem>>, vector<1x16xf32>,
        %get3A_476 = vector.shape_cast %get3A_475 : vector<1x16xf32> to vector<16xf32>
        %add3A_477 = arith.addf %mul3A_472, %get3A_476 : vector<16xf32>
        %swap3A_478 = arith.constant 0 : i32
        %swap3A_479 = arith.index_cast %swap3A_478 : i32 to index
        %swap3A_480 = arith.index_cast %add3A_421 : i32 to index
        %swap3A_481 = arith.constant 32 : index
        %swap3A_482 = tpu.vector_load %arg7[%swap3A_479, %swap3A_480, %swap3A_481] {strides = array<i32>} : memref<4x200x64xf32, #tpu.memory_space<vmem>>, vector<1x1x16xf32>,
        %swap3A_483 = vector.shape_cast %swap3A_482 : vector<1x1x16xf32> to vector<16xf32>
        %swap3A_484 = vector.shape_cast %add3A_477 : vector<16xf32> to vector<1x1x16xf32>
        tpu.vector_store %arg7[%swap3A_479, %swap3A_480, %swap3A_481], %swap3A_484 {strides = array<i32>} : memref<4x200x64xf32, #tpu.memory_space<vmem>>, vector<1x1x16xf32>,
        %get3A_485 = arith.constant 0 : i32
        %get3A_486 = arith.index_cast %get3A_485 : i32 to index
        %get3A_487 = arith.index_cast %add3A_421 : i32 to index
        %get3A_488 = arith.constant 48 : index
        %get3A_489 = tpu.vector_load %arg7[%get3A_486, %get3A_487, %get3A_488] {strides = array<i32>} : memref<4x200x64xf32, #tpu.memory_space<vmem>>, vector<1x1x16xf32>,
        %get3A_490 = vector.shape_cast %get3A_489 : vector<1x1x16xf32> to vector<16xf32>
        %mul3A_491 = arith.constant 8.000000e+00 : f32
        %mul3A_492 = vector.broadcast %mul3A_491 : f32 to vector<16xf32>
        %mul3A_493 = arith.mulf %get3A_490, %mul3A_492 : vector<16xf32>
        %get3A_494 = arith.index_cast %add3A_421 : i32 to index
        %get3A_495 = arith.constant 48 : index
        %get3A_496 = tpu.vector_load %arg8[%get3A_494, %get3A_495] {strides = array<i32>} : memref<200x64xf32, #tpu.memory_space<vmem>>, vector<1x16xf32>,
        %get3A_497 = vector.shape_cast %get3A_496 : vector<1x16xf32> to vector<16xf32>
        %add3A_498 = arith.addf %mul3A_493, %get3A_497 : vector<16xf32>
        %swap3A_499 = arith.constant 0 : i32
        %swap3A_500 = arith.index_cast %swap3A_499 : i32 to index
        %swap3A_501 = arith.index_cast %add3A_421 : i32 to index
        %swap3A_502 = arith.constant 48 : index
        %swap3A_503 = tpu.vector_load %arg7[%swap3A_500, %swap3A_501, %swap3A_502] {strides = array<i32>} : memref<4x200x64xf32, #tpu.memory_space<vmem>>, vector<1x1x16xf32>,
        %swap3A_504 = vector.shape_cast %swap3A_503 : vector<1x1x16xf32> to vector<16xf32>
        %swap3A_505 = vector.shape_cast %add3A_498 : vector<16xf32> to vector<1x1x16xf32>
        tpu.vector_store %arg7[%swap3A_500, %swap3A_501, %swap3A_502], %swap3A_505 {strides = array<i32>} : memref<4x200x64xf32, #tpu.memory_space<vmem>>, vector<1x1x16xf32>,
      }
      %scan3A_142 = arith.constant 100 : i32
      %add3A_143 = arith.addi %mul3A_2, %add3A_118 : i32
      %dma_start3A_144 = arith.constant 0 : i32
      %dma_start3A_145 = arith.constant 0 : i32
      %dma_start3A_146 = arith.constant 0 : i32
      %dma_start3A_147 = tpu.memref_slice %arg7[%dma_start3A_144, %dma_start3A_145, %dma_start3A_146] : memref<4x200x64xf32, #tpu.memory_space<vmem>> -> memref<1x200x64xf32, #tpu.memory_space<vmem>>
      %dma_start3A_148 = tpu.memref_squeeze %dma_start3A_147 : memref<1x200x64xf32, #tpu.memory_space<vmem>> -> memref<200x64xf32, #tpu.memory_space<vmem>>
      %dma_start3A_149 = arith.constant 0 : i32
      %dma_start3A_150 = arith.constant 0 : i32
      %dma_start3A_151 = tpu.memref_slice %arg5[%add3A_143, %dma_start3A_149, %dma_start3A_150] : memref<1024x200x64xf32, #tpu.memory_space<hbm>> -> memref<1x200x64xf32, #tpu.memory_space<hbm>>
      %dma_start3A_152 = tpu.memref_squeeze %dma_start3A_151 : memref<1x200x64xf32, #tpu.memory_space<hbm>> -> memref<200x64xf32, #tpu.memory_space<hbm>>
      %dma_start3A_153 = arith.constant 0 : i32
      %dma_start3A_154 = arith.constant 0 : i32
      %dma_start3A_155 = tpu.memref_slice %arg5[%add3A_143, %dma_start3A_153, %dma_start3A_154] : memref<1024x200x64xf32, #tpu.memory_space<hbm>> -> memref<1x200x64xf32, #tpu.memory_space<hbm>>
      %dma_start3A_156 = tpu.memref_squeeze %dma_start3A_155 : memref<1x200x64xf32, #tpu.memory_space<hbm>> -> memref<200x64xf32, #tpu.memory_space<hbm>>
      %dma_start3A_157 = arith.constant 0 : i32
      %dma_start3A_158 = arith.constant 0 : i32
      %dma_start3A_159 = tpu.memref_slice %arg7[%dma_start3A_144, %dma_start3A_157, %dma_start3A_158] : memref<4x200x64xf32, #tpu.memory_space<vmem>> -> memref<1x200x64xf32, #tpu.memory_space<vmem>>
      %dma_start3A_160 = tpu.memref_squeeze %dma_start3A_159 : memref<1x200x64xf32, #tpu.memory_space<vmem>> -> memref<200x64xf32, #tpu.memory_space<vmem>>
      tpu.enqueue_dma source(%dma_start3A_160 : memref<200x64xf32, #tpu.memory_space<vmem>>) target(%dma_start3A_156 : memref<200x64xf32, #tpu.memory_space<hbm>>) target_semaphore(%arg10 : memref<!tpu.dma_semaphore, #tpu.memory_space<semaphore_mem>>)
      %add3A_161 = arith.constant 4 : i32
      %add3A_162 = arith.addi %add3A_118, %add3A_161 : i32
      %sub3A = arith.constant 1 : i32
      %sub3A_163 = arith.subi %add3A_162, %sub3A : i32
      %lt3A = arith.constant 32 : i32
      %lt3A_164 = arith.cmpi slt, %sub3A_163, %lt3A : i32
      %convert_element_type3A = arith.extui %lt3A_164 : i1 to i32
      %cond3A = arith.constant 0 : i32
      %cond3A_165 = arith.cmpi ne, %convert_element_type3A, %cond3A : i32
      scf.if %cond3A_165 {
        %ge3A = arith.constant 1 : i32
        %ge3A_331 = arith.cmpi sge, %add3A_118, %ge3A : i32
        %convert_element_type3A_332 = arith.extui %ge3A_331 : i1 to i32
        %cond3A_333 = arith.constant 0 : i32
        %cond3A_334 = arith.cmpi ne, %convert_element_type3A_332, %cond3A_333 : i32
        scf.if %cond3A_334 {
          %dma_wait3A_346 = arith.constant 0 : i32
          %dma_wait3A_347 = arith.constant 3 : i32
          %dma_wait3A_348 = arith.constant 0 : i32
          %dma_wait3A_349 = arith.constant 0 : i32
          %dma_wait3A_350 = tpu.memref_slice %arg7[%dma_wait3A_347, %dma_wait3A_348, %dma_wait3A_349] : memref<4x200x64xf32, #tpu.memory_space<vmem>> -> memref<1x200x64xf32, #tpu.memory_space<vmem>>
          %dma_wait3A_351 = tpu.memref_squeeze %dma_wait3A_350 : memref<1x200x64xf32, #tpu.memory_space<vmem>> -> memref<200x64xf32, #tpu.memory_space<vmem>>
          %dma_wait3A_352 = arith.constant 0 : i32
          %dma_wait3A_353 = arith.constant 0 : i32
          %dma_wait3A_354 = tpu.memref_slice %arg5[%dma_wait3A_346, %dma_wait3A_352, %dma_wait3A_353] : memref<1024x200x64xf32, #tpu.memory_space<hbm>> -> memref<1x200x64xf32, #tpu.memory_space<hbm>>
          %dma_wait3A_355 = tpu.memref_squeeze %dma_wait3A_354 : memref<1x200x64xf32, #tpu.memory_space<hbm>> -> memref<200x64xf32, #tpu.memory_space<hbm>>
          %dma_wait3A_356 = arith.constant 0 : i32
          %dma_wait3A_357 = arith.constant 0 : i32
          %dma_wait3A_358 = tpu.memref_slice %arg7[%dma_wait3A_347, %dma_wait3A_356, %dma_wait3A_357] : memref<4x200x64xf32, #tpu.memory_space<vmem>> -> memref<1x200x64xf32, #tpu.memory_space<vmem>>
          %dma_wait3A_359 = tpu.memref_squeeze %dma_wait3A_358 : memref<1x200x64xf32, #tpu.memory_space<vmem>> -> memref<200x64xf32, #tpu.memory_space<vmem>>
          %dma_wait3A_360 = arith.constant 0 : i32
          %dma_wait3A_361 = arith.constant 0 : i32
          %dma_wait3A_362 = tpu.memref_slice %arg5[%dma_wait3A_346, %dma_wait3A_360, %dma_wait3A_361] : memref<1024x200x64xf32, #tpu.memory_space<hbm>> -> memref<1x200x64xf32, #tpu.memory_space<hbm>>
          %dma_wait3A_363 = tpu.memref_squeeze %dma_wait3A_362 : memref<1x200x64xf32, #tpu.memory_space<hbm>> -> memref<200x64xf32, #tpu.memory_space<hbm>>
          tpu.wait_dma2 semaphore(%arg10 : memref<!tpu.dma_semaphore, #tpu.memory_space<semaphore_mem>>) src(%dma_wait3A_363 : memref<200x64xf32, #tpu.memory_space<hbm>>) dst(%dma_wait3A_359 : memref<200x64xf32, #tpu.memory_space<vmem>>)
        } else {
        }
        %dma_start3A_335 = arith.constant 3 : i32
        %dma_start3A_336 = arith.constant 0 : i32
        %dma_start3A_337 = arith.constant 0 : i32
        %dma_start3A_338 = tpu.memref_slice %arg7[%dma_start3A_335, %dma_start3A_336, %dma_start3A_337] : memref<4x200x64xf32, #tpu.memory_space<vmem>> -> memref<1x200x64xf32, #tpu.memory_space<vmem>>
        %dma_start3A_339 = tpu.memref_squeeze %dma_start3A_338 : memref<1x200x64xf32, #tpu.memory_space<vmem>> -> memref<200x64xf32, #tpu.memory_space<vmem>>
        %dma_start3A_340 = arith.constant 0 : i32
        %dma_start3A_341 = tpu.memref_slice %arg6[%sub3A_163, %dma_start3A_340] : memref<32x200xi32, #tpu.memory_space<vmem>> -> memref<1x200xi32, #tpu.memory_space<vmem>>
        %dma_start3A_342 = tpu.memref_squeeze %dma_start3A_341 : memref<1x200xi32, #tpu.memory_space<vmem>> -> memref<200xi32, #tpu.memory_space<vmem>>
        %dma_start3A_343 = arith.constant 0 : i32
        %dma_start3A_344 = arith.constant 0 : i32
        %dma_start3A_345 = tpu.memref_slice %arg3[%dma_start3A_343, %dma_start3A_344] : memref<1000000x64xf32, #tpu.memory_space<hbm>> -> memref<1000000x64xf32, #tpu.memory_space<hbm>>
        tpu.enqueue_indirect_dma source(%dma_start3A_345 : memref<1000000x64xf32, #tpu.memory_space<hbm>>) target(%dma_start3A_339 : memref<200x64xf32, #tpu.memory_space<vmem>>) offsets(%dma_start3A_342 : memref<200xi32, #tpu.memory_space<vmem>>) semaphore(%arg9 : memref<!tpu.dma_semaphore, #tpu.memory_space<semaphore_mem>>)
      } else {
      }
      %mul3A_166 = arith.constant 4 : i32
      %mul3A_167 = arith.muli %scan3A_114, %mul3A_166 : i32
      %add3A_168 = arith.constant 1 : i32
      %add3A_169 = arith.addi %mul3A_167, %add3A_168 : i32
      %dma_wait3A_170 = arith.constant 0 : i32
      %dma_wait3A_171 = arith.constant 1 : i32
      %dma_wait3A_172 = arith.constant 0 : i32
      %dma_wait3A_173 = arith.constant 0 : i32
      %dma_wait3A_174 = tpu.memref_slice %arg7[%dma_wait3A_171, %dma_wait3A_172, %dma_wait3A_173] : memref<4x200x64xf32, #tpu.memory_space<vmem>> -> memref<1x200x64xf32, #tpu.memory_space<vmem>>
      %dma_wait3A_175 = tpu.memref_squeeze %dma_wait3A_174 : memref<1x200x64xf32, #tpu.memory_space<vmem>> -> memref<200x64xf32, #tpu.memory_space<vmem>>
      %dma_wait3A_176 = arith.constant 0 : i32
      %dma_wait3A_177 = arith.constant 0 : i32
      %dma_wait3A_178 = tpu.memref_slice %arg5[%dma_wait3A_170, %dma_wait3A_176, %dma_wait3A_177] : memref<1024x200x64xf32, #tpu.memory_space<hbm>> -> memref<1x200x64xf32, #tpu.memory_space<hbm>>
      %dma_wait3A_179 = tpu.memref_squeeze %dma_wait3A_178 : memref<1x200x64xf32, #tpu.memory_space<hbm>> -> memref<200x64xf32, #tpu.memory_space<hbm>>
      %dma_wait3A_180 = arith.constant 0 : i32
      %dma_wait3A_181 = arith.constant 0 : i32
      %dma_wait3A_182 = tpu.memref_slice %arg7[%dma_wait3A_171, %dma_wait3A_180, %dma_wait3A_181] : memref<4x200x64xf32, #tpu.memory_space<vmem>> -> memref<1x200x64xf32, #tpu.memory_space<vmem>>
      %dma_wait3A_183 = tpu.memref_squeeze %dma_wait3A_182 : memref<1x200x64xf32, #tpu.memory_space<vmem>> -> memref<200x64xf32, #tpu.memory_space<vmem>>
      %dma_wait3A_184 = arith.constant 0 : i32
      %dma_wait3A_185 = arith.constant 0 : i32
      %dma_wait3A_186 = tpu.memref_slice %arg5[%dma_wait3A_170, %dma_wait3A_184, %dma_wait3A_185] : memref<1024x200x64xf32, #tpu.memory_space<hbm>> -> memref<1x200x64xf32, #tpu.memory_space<hbm>>
      %dma_wait3A_187 = tpu.memref_squeeze %dma_wait3A_186 : memref<1x200x64xf32, #tpu.memory_space<hbm>> -> memref<200x64xf32, #tpu.memory_space<hbm>>
      tpu.wait_dma2 semaphore(%arg9 : memref<!tpu.dma_semaphore, #tpu.memory_space<semaphore_mem>>) src(%dma_wait3A_187 : memref<200x64xf32, #tpu.memory_space<hbm>>) dst(%dma_wait3A_183 : memref<200x64xf32, #tpu.memory_space<vmem>>)
      %scan3A_188 = arith.constant 0 : i32
      %scan3A_189 = arith.constant 0 : i32
      %scan3A_190 = arith.constant 100 : i32
      %scan3A_191 = arith.addi %scan3A_189, %scan3A_190 : i32
      %scan3A_192 = arith.constant 1 : i32
      scf.for %scan3A_331 = %scan3A_189 to %scan3A_191 step %scan3A_192  : i32 {
        %mul3A_332 = arith.constant 2 : i32
        %mul3A_333 = arith.muli %scan3A_331, %mul3A_332 : i32
        %add3A_334 = arith.constant 0 : i32
        %add3A_335 = arith.addi %mul3A_333, %add3A_334 : i32
        %get3A = arith.constant 1 : i32
        %get3A_336 = arith.index_cast %get3A : i32 to index
        %get3A_337 = arith.index_cast %add3A_335 : i32 to index
        %get3A_338 = arith.constant 0 : index
        %get3A_339 = tpu.vector_load %arg7[%get3A_336, %get3A_337, %get3A_338] {strides = array<i32>} : memref<4x200x64xf32, #tpu.memory_space<vmem>>, vector<1x1x16xf32>,
        %get3A_340 = vector.shape_cast %get3A_339 : vector<1x1x16xf32> to vector<16xf32>
        %mul3A_341 = arith.constant 8.000000e+00 : f32
        %mul3A_342 = vector.broadcast %mul3A_341 : f32 to vector<16xf32>
        %mul3A_343 = arith.mulf %get3A_340, %mul3A_342 : vector<16xf32>
        %get3A_344 = arith.index_cast %add3A_335 : i32 to index
        %get3A_345 = arith.constant 0 : index
        %get3A_346 = tpu.vector_load %arg8[%get3A_344, %get3A_345] {strides = array<i32>} : memref<200x64xf32, #tpu.memory_space<vmem>>, vector<1x16xf32>,
        %get3A_347 = vector.shape_cast %get3A_346 : vector<1x16xf32> to vector<16xf32>
        %add3A_348 = arith.addf %mul3A_343, %get3A_347 : vector<16xf32>
        %swap3A = arith.constant 1 : i32
        %swap3A_349 = arith.index_cast %swap3A : i32 to index
        %swap3A_350 = arith.index_cast %add3A_335 : i32 to index
        %swap3A_351 = arith.constant 0 : index
        %swap3A_352 = tpu.vector_load %arg7[%swap3A_349, %swap3A_350, %swap3A_351] {strides = array<i32>} : memref<4x200x64xf32, #tpu.memory_space<vmem>>, vector<1x1x16xf32>,
        %swap3A_353 = vector.shape_cast %swap3A_352 : vector<1x1x16xf32> to vector<16xf32>
        %swap3A_354 = vector.shape_cast %add3A_348 : vector<16xf32> to vector<1x1x16xf32>
        tpu.vector_store %arg7[%swap3A_349, %swap3A_350, %swap3A_351], %swap3A_354 {strides = array<i32>} : memref<4x200x64xf32, #tpu.memory_space<vmem>>, vector<1x1x16xf32>,
        %get3A_355 = arith.constant 1 : i32
        %get3A_356 = arith.index_cast %get3A_355 : i32 to index
        %get3A_357 = arith.index_cast %add3A_335 : i32 to index
        %get3A_358 = arith.constant 16 : index
        %get3A_359 = tpu.vector_load %arg7[%get3A_356, %get3A_357, %get3A_358] {strides = array<i32>} : memref<4x200x64xf32, #tpu.memory_space<vmem>>, vector<1x1x16xf32>,
        %get3A_360 = vector.shape_cast %get3A_359 : vector<1x1x16xf32> to vector<16xf32>
        %mul3A_361 = arith.constant 8.000000e+00 : f32
        %mul3A_362 = vector.broadcast %mul3A_361 : f32 to vector<16xf32>
        %mul3A_363 = arith.mulf %get3A_360, %mul3A_362 : vector<16xf32>
        %get3A_364 = arith.index_cast %add3A_335 : i32 to index
        %get3A_365 = arith.constant 16 : index
        %get3A_366 = tpu.vector_load %arg8[%get3A_364, %get3A_365] {strides = array<i32>} : memref<200x64xf32, #tpu.memory_space<vmem>>, vector<1x16xf32>,
        %get3A_367 = vector.shape_cast %get3A_366 : vector<1x16xf32> to vector<16xf32>
        %add3A_368 = arith.addf %mul3A_363, %get3A_367 : vector<16xf32>
        %swap3A_369 = arith.constant 1 : i32
        %swap3A_370 = arith.index_cast %swap3A_369 : i32 to index
        %swap3A_371 = arith.index_cast %add3A_335 : i32 to index
        %swap3A_372 = arith.constant 16 : index
        %swap3A_373 = tpu.vector_load %arg7[%swap3A_370, %swap3A_371, %swap3A_372] {strides = array<i32>} : memref<4x200x64xf32, #tpu.memory_space<vmem>>, vector<1x1x16xf32>,
        %swap3A_374 = vector.shape_cast %swap3A_373 : vector<1x1x16xf32> to vector<16xf32>
        %swap3A_375 = vector.shape_cast %add3A_368 : vector<16xf32> to vector<1x1x16xf32>
        tpu.vector_store %arg7[%swap3A_370, %swap3A_371, %swap3A_372], %swap3A_375 {strides = array<i32>} : memref<4x200x64xf32, #tpu.memory_space<vmem>>, vector<1x1x16xf32>,
        %get3A_376 = arith.constant 1 : i32
        %get3A_377 = arith.index_cast %get3A_376 : i32 to index
        %get3A_378 = arith.index_cast %add3A_335 : i32 to index
        %get3A_379 = arith.constant 32 : index
        %get3A_380 = tpu.vector_load %arg7[%get3A_377, %get3A_378, %get3A_379] {strides = array<i32>} : memref<4x200x64xf32, #tpu.memory_space<vmem>>, vector<1x1x16xf32>,
        %get3A_381 = vector.shape_cast %get3A_380 : vector<1x1x16xf32> to vector<16xf32>
        %mul3A_382 = arith.constant 8.000000e+00 : f32
        %mul3A_383 = vector.broadcast %mul3A_382 : f32 to vector<16xf32>
        %mul3A_384 = arith.mulf %get3A_381, %mul3A_383 : vector<16xf32>
        %get3A_385 = arith.index_cast %add3A_335 : i32 to index
        %get3A_386 = arith.constant 32 : index
        %get3A_387 = tpu.vector_load %arg8[%get3A_385, %get3A_386] {strides = array<i32>} : memref<200x64xf32, #tpu.memory_space<vmem>>, vector<1x16xf32>,
        %get3A_388 = vector.shape_cast %get3A_387 : vector<1x16xf32> to vector<16xf32>
        %add3A_389 = arith.addf %mul3A_384, %get3A_388 : vector<16xf32>
        %swap3A_390 = arith.constant 1 : i32
        %swap3A_391 = arith.index_cast %swap3A_390 : i32 to index
        %swap3A_392 = arith.index_cast %add3A_335 : i32 to index
        %swap3A_393 = arith.constant 32 : index
        %swap3A_394 = tpu.vector_load %arg7[%swap3A_391, %swap3A_392, %swap3A_393] {strides = array<i32>} : memref<4x200x64xf32, #tpu.memory_space<vmem>>, vector<1x1x16xf32>,
        %swap3A_395 = vector.shape_cast %swap3A_394 : vector<1x1x16xf32> to vector<16xf32>
        %swap3A_396 = vector.shape_cast %add3A_389 : vector<16xf32> to vector<1x1x16xf32>
        tpu.vector_store %arg7[%swap3A_391, %swap3A_392, %swap3A_393], %swap3A_396 {strides = array<i32>} : memref<4x200x64xf32, #tpu.memory_space<vmem>>, vector<1x1x16xf32>,
        %get3A_397 = arith.constant 1 : i32
        %get3A_398 = arith.index_cast %get3A_397 : i32 to index
        %get3A_399 = arith.index_cast %add3A_335 : i32 to index
        %get3A_400 = arith.constant 48 : index
        %get3A_401 = tpu.vector_load %arg7[%get3A_398, %get3A_399, %get3A_400] {strides = array<i32>} : memref<4x200x64xf32, #tpu.memory_space<vmem>>, vector<1x1x16xf32>,
        %get3A_402 = vector.shape_cast %get3A_401 : vector<1x1x16xf32> to vector<16xf32>
        %mul3A_403 = arith.constant 8.000000e+00 : f32
        %mul3A_404 = vector.broadcast %mul3A_403 : f32 to vector<16xf32>
        %mul3A_405 = arith.mulf %get3A_402, %mul3A_404 : vector<16xf32>
        %get3A_406 = arith.index_cast %add3A_335 : i32 to index
        %get3A_407 = arith.constant 48 : index
        %get3A_408 = tpu.vector_load %arg8[%get3A_406, %get3A_407] {strides = array<i32>} : memref<200x64xf32, #tpu.memory_space<vmem>>, vector<1x16xf32>,
        %get3A_409 = vector.shape_cast %get3A_408 : vector<1x16xf32> to vector<16xf32>
        %add3A_410 = arith.addf %mul3A_405, %get3A_409 : vector<16xf32>
        %swap3A_411 = arith.constant 1 : i32
        %swap3A_412 = arith.index_cast %swap3A_411 : i32 to index
        %swap3A_413 = arith.index_cast %add3A_335 : i32 to index
        %swap3A_414 = arith.constant 48 : index
        %swap3A_415 = tpu.vector_load %arg7[%swap3A_412, %swap3A_413, %swap3A_414] {strides = array<i32>} : memref<4x200x64xf32, #tpu.memory_space<vmem>>, vector<1x1x16xf32>,
        %swap3A_416 = vector.shape_cast %swap3A_415 : vector<1x1x16xf32> to vector<16xf32>
        %swap3A_417 = vector.shape_cast %add3A_410 : vector<16xf32> to vector<1x1x16xf32>
        tpu.vector_store %arg7[%swap3A_412, %swap3A_413, %swap3A_414], %swap3A_417 {strides = array<i32>} : memref<4x200x64xf32, #tpu.memory_space<vmem>>, vector<1x1x16xf32>,
        %mul3A_418 = arith.constant 2 : i32
        %mul3A_419 = arith.muli %scan3A_331, %mul3A_418 : i32
        %add3A_420 = arith.constant 1 : i32
        %add3A_421 = arith.addi %mul3A_419, %add3A_420 : i32
        %get3A_422 = arith.constant 1 : i32
        %get3A_423 = arith.index_cast %get3A_422 : i32 to index
        %get3A_424 = arith.index_cast %add3A_421 : i32 to index
        %get3A_425 = arith.constant 0 : index
        %get3A_426 = tpu.vector_load %arg7[%get3A_423, %get3A_424, %get3A_425] {strides = array<i32>} : memref<4x200x64xf32, #tpu.memory_space<vmem>>, vector<1x1x16xf32>,
        %get3A_427 = vector.shape_cast %get3A_426 : vector<1x1x16xf32> to vector<16xf32>
        %mul3A_428 = arith.constant 8.000000e+00 : f32
        %mul3A_429 = vector.broadcast %mul3A_428 : f32 to vector<16xf32>
        %mul3A_430 = arith.mulf %get3A_427, %mul3A_429 : vector<16xf32>
        %get3A_431 = arith.index_cast %add3A_421 : i32 to index
        %get3A_432 = arith.constant 0 : index
        %get3A_433 = tpu.vector_load %arg8[%get3A_431, %get3A_432] {strides = array<i32>} : memref<200x64xf32, #tpu.memory_space<vmem>>, vector<1x16xf32>,
        %get3A_434 = vector.shape_cast %get3A_433 : vector<1x16xf32> to vector<16xf32>
        %add3A_435 = arith.addf %mul3A_430, %get3A_434 : vector<16xf32>
        %swap3A_436 = arith.constant 1 : i32
        %swap3A_437 = arith.index_cast %swap3A_436 : i32 to index
        %swap3A_438 = arith.index_cast %add3A_421 : i32 to index
        %swap3A_439 = arith.constant 0 : index
        %swap3A_440 = tpu.vector_load %arg7[%swap3A_437, %swap3A_438, %swap3A_439] {strides = array<i32>} : memref<4x200x64xf32, #tpu.memory_space<vmem>>, vector<1x1x16xf32>,
        %swap3A_441 = vector.shape_cast %swap3A_440 : vector<1x1x16xf32> to vector<16xf32>
        %swap3A_442 = vector.shape_cast %add3A_435 : vector<16xf32> to vector<1x1x16xf32>
        tpu.vector_store %arg7[%swap3A_437, %swap3A_438, %swap3A_439], %swap3A_442 {strides = array<i32>} : memref<4x200x64xf32, #tpu.memory_space<vmem>>, vector<1x1x16xf32>,
        %get3A_443 = arith.constant 1 : i32
        %get3A_444 = arith.index_cast %get3A_443 : i32 to index
        %get3A_445 = arith.index_cast %add3A_421 : i32 to index
        %get3A_446 = arith.constant 16 : index
        %get3A_447 = tpu.vector_load %arg7[%get3A_444, %get3A_445, %get3A_446] {strides = array<i32>} : memref<4x200x64xf32, #tpu.memory_space<vmem>>, vector<1x1x16xf32>,
        %get3A_448 = vector.shape_cast %get3A_447 : vector<1x1x16xf32> to vector<16xf32>
        %mul3A_449 = arith.constant 8.000000e+00 : f32
        %mul3A_450 = vector.broadcast %mul3A_449 : f32 to vector<16xf32>
        %mul3A_451 = arith.mulf %get3A_448, %mul3A_450 : vector<16xf32>
        %get3A_452 = arith.index_cast %add3A_421 : i32 to index
        %get3A_453 = arith.constant 16 : index
        %get3A_454 = tpu.vector_load %arg8[%get3A_452, %get3A_453] {strides = array<i32>} : memref<200x64xf32, #tpu.memory_space<vmem>>, vector<1x16xf32>,
        %get3A_455 = vector.shape_cast %get3A_454 : vector<1x16xf32> to vector<16xf32>
        %add3A_456 = arith.addf %mul3A_451, %get3A_455 : vector<16xf32>
        %swap3A_457 = arith.constant 1 : i32
        %swap3A_458 = arith.index_cast %swap3A_457 : i32 to index
        %swap3A_459 = arith.index_cast %add3A_421 : i32 to index
        %swap3A_460 = arith.constant 16 : index
        %swap3A_461 = tpu.vector_load %arg7[%swap3A_458, %swap3A_459, %swap3A_460] {strides = array<i32>} : memref<4x200x64xf32, #tpu.memory_space<vmem>>, vector<1x1x16xf32>,
        %swap3A_462 = vector.shape_cast %swap3A_461 : vector<1x1x16xf32> to vector<16xf32>
        %swap3A_463 = vector.shape_cast %add3A_456 : vector<16xf32> to vector<1x1x16xf32>
        tpu.vector_store %arg7[%swap3A_458, %swap3A_459, %swap3A_460], %swap3A_463 {strides = array<i32>} : memref<4x200x64xf32, #tpu.memory_space<vmem>>, vector<1x1x16xf32>,
        %get3A_464 = arith.constant 1 : i32
        %get3A_465 = arith.index_cast %get3A_464 : i32 to index
        %get3A_466 = arith.index_cast %add3A_421 : i32 to index
        %get3A_467 = arith.constant 32 : index
        %get3A_468 = tpu.vector_load %arg7[%get3A_465, %get3A_466, %get3A_467] {strides = array<i32>} : memref<4x200x64xf32, #tpu.memory_space<vmem>>, vector<1x1x16xf32>,
        %get3A_469 = vector.shape_cast %get3A_468 : vector<1x1x16xf32> to vector<16xf32>
        %mul3A_470 = arith.constant 8.000000e+00 : f32
        %mul3A_471 = vector.broadcast %mul3A_470 : f32 to vector<16xf32>
        %mul3A_472 = arith.mulf %get3A_469, %mul3A_471 : vector<16xf32>
        %get3A_473 = arith.index_cast %add3A_421 : i32 to index
        %get3A_474 = arith.constant 32 : index
        %get3A_475 = tpu.vector_load %arg8[%get3A_473, %get3A_474] {strides = array<i32>} : memref<200x64xf32, #tpu.memory_space<vmem>>, vector<1x16xf32>,
        %get3A_476 = vector.shape_cast %get3A_475 : vector<1x16xf32> to vector<16xf32>
        %add3A_477 = arith.addf %mul3A_472, %get3A_476 : vector<16xf32>
        %swap3A_478 = arith.constant 1 : i32
        %swap3A_479 = arith.index_cast %swap3A_478 : i32 to index
        %swap3A_480 = arith.index_cast %add3A_421 : i32 to index
        %swap3A_481 = arith.constant 32 : index
        %swap3A_482 = tpu.vector_load %arg7[%swap3A_479, %swap3A_480, %swap3A_481] {strides = array<i32>} : memref<4x200x64xf32, #tpu.memory_space<vmem>>, vector<1x1x16xf32>,
        %swap3A_483 = vector.shape_cast %swap3A_482 : vector<1x1x16xf32> to vector<16xf32>
        %swap3A_484 = vector.shape_cast %add3A_477 : vector<16xf32> to vector<1x1x16xf32>
        tpu.vector_store %arg7[%swap3A_479, %swap3A_480, %swap3A_481], %swap3A_484 {strides = array<i32>} : memref<4x200x64xf32, #tpu.memory_space<vmem>>, vector<1x1x16xf32>,
        %get3A_485 = arith.constant 1 : i32
        %get3A_486 = arith.index_cast %get3A_485 : i32 to index
        %get3A_487 = arith.index_cast %add3A_421 : i32 to index
        %get3A_488 = arith.constant 48 : index
        %get3A_489 = tpu.vector_load %arg7[%get3A_486, %get3A_487, %get3A_488] {strides = array<i32>} : memref<4x200x64xf32, #tpu.memory_space<vmem>>, vector<1x1x16xf32>,
        %get3A_490 = vector.shape_cast %get3A_489 : vector<1x1x16xf32> to vector<16xf32>
        %mul3A_491 = arith.constant 8.000000e+00 : f32
        %mul3A_492 = vector.broadcast %mul3A_491 : f32 to vector<16xf32>
        %mul3A_493 = arith.mulf %get3A_490, %mul3A_492 : vector<16xf32>
        %get3A_494 = arith.index_cast %add3A_421 : i32 to index
        %get3A_495 = arith.constant 48 : index
        %get3A_496 = tpu.vector_load %arg8[%get3A_494, %get3A_495] {strides = array<i32>} : memref<200x64xf32, #tpu.memory_space<vmem>>, vector<1x16xf32>,
        %get3A_497 = vector.shape_cast %get3A_496 : vector<1x16xf32> to vector<16xf32>
        %add3A_498 = arith.addf %mul3A_493, %get3A_497 : vector<16xf32>
        %swap3A_499 = arith.constant 1 : i32
        %swap3A_500 = arith.index_cast %swap3A_499 : i32 to index
        %swap3A_501 = arith.index_cast %add3A_421 : i32 to index
        %swap3A_502 = arith.constant 48 : index
        %swap3A_503 = tpu.vector_load %arg7[%swap3A_500, %swap3A_501, %swap3A_502] {strides = array<i32>} : memref<4x200x64xf32, #tpu.memory_space<vmem>>, vector<1x1x16xf32>,
        %swap3A_504 = vector.shape_cast %swap3A_503 : vector<1x1x16xf32> to vector<16xf32>
        %swap3A_505 = vector.shape_cast %add3A_498 : vector<16xf32> to vector<1x1x16xf32>
        tpu.vector_store %arg7[%swap3A_500, %swap3A_501, %swap3A_502], %swap3A_505 {strides = array<i32>} : memref<4x200x64xf32, #tpu.memory_space<vmem>>, vector<1x1x16xf32>,
      }
      %scan3A_193 = arith.constant 100 : i32
      %add3A_194 = arith.addi %mul3A_2, %add3A_169 : i32
      %dma_start3A_195 = arith.constant 1 : i32
      %dma_start3A_196 = arith.constant 0 : i32
      %dma_start3A_197 = arith.constant 0 : i32
      %dma_start3A_198 = tpu.memref_slice %arg7[%dma_start3A_195, %dma_start3A_196, %dma_start3A_197] : memref<4x200x64xf32, #tpu.memory_space<vmem>> -> memref<1x200x64xf32, #tpu.memory_space<vmem>>
      %dma_start3A_199 = tpu.memref_squeeze %dma_start3A_198 : memref<1x200x64xf32, #tpu.memory_space<vmem>> -> memref<200x64xf32, #tpu.memory_space<vmem>>
      %dma_start3A_200 = arith.constant 0 : i32
      %dma_start3A_201 = arith.constant 0 : i32
      %dma_start3A_202 = tpu.memref_slice %arg5[%add3A_194, %dma_start3A_200, %dma_start3A_201] : memref<1024x200x64xf32, #tpu.memory_space<hbm>> -> memref<1x200x64xf32, #tpu.memory_space<hbm>>
      %dma_start3A_203 = tpu.memref_squeeze %dma_start3A_202 : memref<1x200x64xf32, #tpu.memory_space<hbm>> -> memref<200x64xf32, #tpu.memory_space<hbm>>
      %dma_start3A_204 = arith.constant 0 : i32
      %dma_start3A_205 = arith.constant 0 : i32
      %dma_start3A_206 = tpu.memref_slice %arg5[%add3A_194, %dma_start3A_204, %dma_start3A_205] : memref<1024x200x64xf32, #tpu.memory_space<hbm>> -> memref<1x200x64xf32, #tpu.memory_space<hbm>>
      %dma_start3A_207 = tpu.memref_squeeze %dma_start3A_206 : memref<1x200x64xf32, #tpu.memory_space<hbm>> -> memref<200x64xf32, #tpu.memory_space<hbm>>
      %dma_start3A_208 = arith.constant 0 : i32
      %dma_start3A_209 = arith.constant 0 : i32
      %dma_start3A_210 = tpu.memref_slice %arg7[%dma_start3A_195, %dma_start3A_208, %dma_start3A_209] : memref<4x200x64xf32, #tpu.memory_space<vmem>> -> memref<1x200x64xf32, #tpu.memory_space<vmem>>
      %dma_start3A_211 = tpu.memref_squeeze %dma_start3A_210 : memref<1x200x64xf32, #tpu.memory_space<vmem>> -> memref<200x64xf32, #tpu.memory_space<vmem>>
      tpu.enqueue_dma source(%dma_start3A_211 : memref<200x64xf32, #tpu.memory_space<vmem>>) target(%dma_start3A_207 : memref<200x64xf32, #tpu.memory_space<hbm>>) target_semaphore(%arg10 : memref<!tpu.dma_semaphore, #tpu.memory_space<semaphore_mem>>)
      %add3A_212 = arith.constant 4 : i32
      %add3A_213 = arith.addi %add3A_169, %add3A_212 : i32
      %sub3A_214 = arith.constant 1 : i32
      %sub3A_215 = arith.subi %add3A_213, %sub3A_214 : i32
      %lt3A_216 = arith.constant 32 : i32
      %lt3A_217 = arith.cmpi slt, %sub3A_215, %lt3A_216 : i32
      %convert_element_type3A_218 = arith.extui %lt3A_217 : i1 to i32
      %cond3A_219 = arith.constant 0 : i32
      %cond3A_220 = arith.cmpi ne, %convert_element_type3A_218, %cond3A_219 : i32
      scf.if %cond3A_220 {
        %ge3A = arith.constant 1 : i32
        %ge3A_331 = arith.cmpi sge, %add3A_169, %ge3A : i32
        %convert_element_type3A_332 = arith.extui %ge3A_331 : i1 to i32
        %cond3A_333 = arith.constant 0 : i32
        %cond3A_334 = arith.cmpi ne, %convert_element_type3A_332, %cond3A_333 : i32
        scf.if %cond3A_334 {
          %dma_wait3A_346 = arith.constant 0 : i32
          %dma_wait3A_347 = arith.constant 0 : i32
          %dma_wait3A_348 = arith.constant 0 : i32
          %dma_wait3A_349 = arith.constant 0 : i32
          %dma_wait3A_350 = tpu.memref_slice %arg7[%dma_wait3A_347, %dma_wait3A_348, %dma_wait3A_349] : memref<4x200x64xf32, #tpu.memory_space<vmem>> -> memref<1x200x64xf32, #tpu.memory_space<vmem>>
          %dma_wait3A_351 = tpu.memref_squeeze %dma_wait3A_350 : memref<1x200x64xf32, #tpu.memory_space<vmem>> -> memref<200x64xf32, #tpu.memory_space<vmem>>
          %dma_wait3A_352 = arith.constant 0 : i32
          %dma_wait3A_353 = arith.constant 0 : i32
          %dma_wait3A_354 = tpu.memref_slice %arg5[%dma_wait3A_346, %dma_wait3A_352, %dma_wait3A_353] : memref<1024x200x64xf32, #tpu.memory_space<hbm>> -> memref<1x200x64xf32, #tpu.memory_space<hbm>>
          %dma_wait3A_355 = tpu.memref_squeeze %dma_wait3A_354 : memref<1x200x64xf32, #tpu.memory_space<hbm>> -> memref<200x64xf32, #tpu.memory_space<hbm>>
          %dma_wait3A_356 = arith.constant 0 : i32
          %dma_wait3A_357 = arith.constant 0 : i32
          %dma_wait3A_358 = tpu.memref_slice %arg7[%dma_wait3A_347, %dma_wait3A_356, %dma_wait3A_357] : memref<4x200x64xf32, #tpu.memory_space<vmem>> -> memref<1x200x64xf32, #tpu.memory_space<vmem>>
          %dma_wait3A_359 = tpu.memref_squeeze %dma_wait3A_358 : memref<1x200x64xf32, #tpu.memory_space<vmem>> -> memref<200x64xf32, #tpu.memory_space<vmem>>
          %dma_wait3A_360 = arith.constant 0 : i32
          %dma_wait3A_361 = arith.constant 0 : i32
          %dma_wait3A_362 = tpu.memref_slice %arg5[%dma_wait3A_346, %dma_wait3A_360, %dma_wait3A_361] : memref<1024x200x64xf32, #tpu.memory_space<hbm>> -> memref<1x200x64xf32, #tpu.memory_space<hbm>>
          %dma_wait3A_363 = tpu.memref_squeeze %dma_wait3A_362 : memref<1x200x64xf32, #tpu.memory_space<hbm>> -> memref<200x64xf32, #tpu.memory_space<hbm>>
          tpu.wait_dma2 semaphore(%arg10 : memref<!tpu.dma_semaphore, #tpu.memory_space<semaphore_mem>>) src(%dma_wait3A_363 : memref<200x64xf32, #tpu.memory_space<hbm>>) dst(%dma_wait3A_359 : memref<200x64xf32, #tpu.memory_space<vmem>>)
        } else {
        }
        %dma_start3A_335 = arith.constant 0 : i32
        %dma_start3A_336 = arith.constant 0 : i32
        %dma_start3A_337 = arith.constant 0 : i32
        %dma_start3A_338 = tpu.memref_slice %arg7[%dma_start3A_335, %dma_start3A_336, %dma_start3A_337] : memref<4x200x64xf32, #tpu.memory_space<vmem>> -> memref<1x200x64xf32, #tpu.memory_space<vmem>>
        %dma_start3A_339 = tpu.memref_squeeze %dma_start3A_338 : memref<1x200x64xf32, #tpu.memory_space<vmem>> -> memref<200x64xf32, #tpu.memory_space<vmem>>
        %dma_start3A_340 = arith.constant 0 : i32
        %dma_start3A_341 = tpu.memref_slice %arg6[%sub3A_215, %dma_start3A_340] : memref<32x200xi32, #tpu.memory_space<vmem>> -> memref<1x200xi32, #tpu.memory_space<vmem>>
        %dma_start3A_342 = tpu.memref_squeeze %dma_start3A_341 : memref<1x200xi32, #tpu.memory_space<vmem>> -> memref<200xi32, #tpu.memory_space<vmem>>
        %dma_start3A_343 = arith.constant 0 : i32
        %dma_start3A_344 = arith.constant 0 : i32
        %dma_start3A_345 = tpu.memref_slice %arg3[%dma_start3A_343, %dma_start3A_344] : memref<1000000x64xf32, #tpu.memory_space<hbm>> -> memref<1000000x64xf32, #tpu.memory_space<hbm>>
        tpu.enqueue_indirect_dma source(%dma_start3A_345 : memref<1000000x64xf32, #tpu.memory_space<hbm>>) target(%dma_start3A_339 : memref<200x64xf32, #tpu.memory_space<vmem>>) offsets(%dma_start3A_342 : memref<200xi32, #tpu.memory_space<vmem>>) semaphore(%arg9 : memref<!tpu.dma_semaphore, #tpu.memory_space<semaphore_mem>>)
      } else {
      }
      %mul3A_221 = arith.constant 4 : i32
      %mul3A_222 = arith.muli %scan3A_114, %mul3A_221 : i32
      %add3A_223 = arith.constant 2 : i32
      %add3A_224 = arith.addi %mul3A_222, %add3A_223 : i32
      %dma_wait3A_225 = arith.constant 0 : i32
      %dma_wait3A_226 = arith.constant 2 : i32
      %dma_wait3A_227 = arith.constant 0 : i32
      %dma_wait3A_228 = arith.constant 0 : i32
      %dma_wait3A_229 = tpu.memref_slice %arg7[%dma_wait3A_226, %dma_wait3A_227, %dma_wait3A_228] : memref<4x200x64xf32, #tpu.memory_space<vmem>> -> memref<1x200x64xf32, #tpu.memory_space<vmem>>
      %dma_wait3A_230 = tpu.memref_squeeze %dma_wait3A_229 : memref<1x200x64xf32, #tpu.memory_space<vmem>> -> memref<200x64xf32, #tpu.memory_space<vmem>>
      %dma_wait3A_231 = arith.constant 0 : i32
      %dma_wait3A_232 = arith.constant 0 : i32
      %dma_wait3A_233 = tpu.memref_slice %arg5[%dma_wait3A_225, %dma_wait3A_231, %dma_wait3A_232] : memref<1024x200x64xf32, #tpu.memory_space<hbm>> -> memref<1x200x64xf32, #tpu.memory_space<hbm>>
      %dma_wait3A_234 = tpu.memref_squeeze %dma_wait3A_233 : memref<1x200x64xf32, #tpu.memory_space<hbm>> -> memref<200x64xf32, #tpu.memory_space<hbm>>
      %dma_wait3A_235 = arith.constant 0 : i32
      %dma_wait3A_236 = arith.constant 0 : i32
      %dma_wait3A_237 = tpu.memref_slice %arg7[%dma_wait3A_226, %dma_wait3A_235, %dma_wait3A_236] : memref<4x200x64xf32, #tpu.memory_space<vmem>> -> memref<1x200x64xf32, #tpu.memory_space<vmem>>
      %dma_wait3A_238 = tpu.memref_squeeze %dma_wait3A_237 : memref<1x200x64xf32, #tpu.memory_space<vmem>> -> memref<200x64xf32, #tpu.memory_space<vmem>>
      %dma_wait3A_239 = arith.constant 0 : i32
      %dma_wait3A_240 = arith.constant 0 : i32
      %dma_wait3A_241 = tpu.memref_slice %arg5[%dma_wait3A_225, %dma_wait3A_239, %dma_wait3A_240] : memref<1024x200x64xf32, #tpu.memory_space<hbm>> -> memref<1x200x64xf32, #tpu.memory_space<hbm>>
      %dma_wait3A_242 = tpu.memref_squeeze %dma_wait3A_241 : memref<1x200x64xf32, #tpu.memory_space<hbm>> -> memref<200x64xf32, #tpu.memory_space<hbm>>
      tpu.wait_dma2 semaphore(%arg9 : memref<!tpu.dma_semaphore, #tpu.memory_space<semaphore_mem>>) src(%dma_wait3A_242 : memref<200x64xf32, #tpu.memory_space<hbm>>) dst(%dma_wait3A_238 : memref<200x64xf32, #tpu.memory_space<vmem>>)
      %scan3A_243 = arith.constant 0 : i32
      %scan3A_244 = arith.constant 0 : i32
      %scan3A_245 = arith.constant 100 : i32
      %scan3A_246 = arith.addi %scan3A_244, %scan3A_245 : i32
      %scan3A_247 = arith.constant 1 : i32
      scf.for %scan3A_331 = %scan3A_244 to %scan3A_246 step %scan3A_247  : i32 {
        %mul3A_332 = arith.constant 2 : i32
        %mul3A_333 = arith.muli %scan3A_331, %mul3A_332 : i32
        %add3A_334 = arith.constant 0 : i32
        %add3A_335 = arith.addi %mul3A_333, %add3A_334 : i32
        %get3A = arith.constant 2 : i32
        %get3A_336 = arith.index_cast %get3A : i32 to index
        %get3A_337 = arith.index_cast %add3A_335 : i32 to index
        %get3A_338 = arith.constant 0 : index
        %get3A_339 = tpu.vector_load %arg7[%get3A_336, %get3A_337, %get3A_338] {strides = array<i32>} : memref<4x200x64xf32, #tpu.memory_space<vmem>>, vector<1x1x16xf32>,
        %get3A_340 = vector.shape_cast %get3A_339 : vector<1x1x16xf32> to vector<16xf32>
        %mul3A_341 = arith.constant 8.000000e+00 : f32
        %mul3A_342 = vector.broadcast %mul3A_341 : f32 to vector<16xf32>
        %mul3A_343 = arith.mulf %get3A_340, %mul3A_342 : vector<16xf32>
        %get3A_344 = arith.index_cast %add3A_335 : i32 to index
        %get3A_345 = arith.constant 0 : index
        %get3A_346 = tpu.vector_load %arg8[%get3A_344, %get3A_345] {strides = array<i32>} : memref<200x64xf32, #tpu.memory_space<vmem>>, vector<1x16xf32>,
        %get3A_347 = vector.shape_cast %get3A_346 : vector<1x16xf32> to vector<16xf32>
        %add3A_348 = arith.addf %mul3A_343, %get3A_347 : vector<16xf32>
        %swap3A = arith.constant 2 : i32
        %swap3A_349 = arith.index_cast %swap3A : i32 to index
        %swap3A_350 = arith.index_cast %add3A_335 : i32 to index
        %swap3A_351 = arith.constant 0 : index
        %swap3A_352 = tpu.vector_load %arg7[%swap3A_349, %swap3A_350, %swap3A_351] {strides = array<i32>} : memref<4x200x64xf32, #tpu.memory_space<vmem>>, vector<1x1x16xf32>,
        %swap3A_353 = vector.shape_cast %swap3A_352 : vector<1x1x16xf32> to vector<16xf32>
        %swap3A_354 = vector.shape_cast %add3A_348 : vector<16xf32> to vector<1x1x16xf32>
        tpu.vector_store %arg7[%swap3A_349, %swap3A_350, %swap3A_351], %swap3A_354 {strides = array<i32>} : memref<4x200x64xf32, #tpu.memory_space<vmem>>, vector<1x1x16xf32>,
        %get3A_355 = arith.constant 2 : i32
        %get3A_356 = arith.index_cast %get3A_355 : i32 to index
        %get3A_357 = arith.index_cast %add3A_335 : i32 to index
        %get3A_358 = arith.constant 16 : index
        %get3A_359 = tpu.vector_load %arg7[%get3A_356, %get3A_357, %get3A_358] {strides = array<i32>} : memref<4x200x64xf32, #tpu.memory_space<vmem>>, vector<1x1x16xf32>,
        %get3A_360 = vector.shape_cast %get3A_359 : vector<1x1x16xf32> to vector<16xf32>
        %mul3A_361 = arith.constant 8.000000e+00 : f32
        %mul3A_362 = vector.broadcast %mul3A_361 : f32 to vector<16xf32>
        %mul3A_363 = arith.mulf %get3A_360, %mul3A_362 : vector<16xf32>
        %get3A_364 = arith.index_cast %add3A_335 : i32 to index
        %get3A_365 = arith.constant 16 : index
        %get3A_366 = tpu.vector_load %arg8[%get3A_364, %get3A_365] {strides = array<i32>} : memref<200x64xf32, #tpu.memory_space<vmem>>, vector<1x16xf32>,
        %get3A_367 = vector.shape_cast %get3A_366 : vector<1x16xf32> to vector<16xf32>
        %add3A_368 = arith.addf %mul3A_363, %get3A_367 : vector<16xf32>
        %swap3A_369 = arith.constant 2 : i32
        %swap3A_370 = arith.index_cast %swap3A_369 : i32 to index
        %swap3A_371 = arith.index_cast %add3A_335 : i32 to index
        %swap3A_372 = arith.constant 16 : index
        %swap3A_373 = tpu.vector_load %arg7[%swap3A_370, %swap3A_371, %swap3A_372] {strides = array<i32>} : memref<4x200x64xf32, #tpu.memory_space<vmem>>, vector<1x1x16xf32>,
        %swap3A_374 = vector.shape_cast %swap3A_373 : vector<1x1x16xf32> to vector<16xf32>
        %swap3A_375 = vector.shape_cast %add3A_368 : vector<16xf32> to vector<1x1x16xf32>
        tpu.vector_store %arg7[%swap3A_370, %swap3A_371, %swap3A_372], %swap3A_375 {strides = array<i32>} : memref<4x200x64xf32, #tpu.memory_space<vmem>>, vector<1x1x16xf32>,
        %get3A_376 = arith.constant 2 : i32
        %get3A_377 = arith.index_cast %get3A_376 : i32 to index
        %get3A_378 = arith.index_cast %add3A_335 : i32 to index
        %get3A_379 = arith.constant 32 : index
        %get3A_380 = tpu.vector_load %arg7[%get3A_377, %get3A_378, %get3A_379] {strides = array<i32>} : memref<4x200x64xf32, #tpu.memory_space<vmem>>, vector<1x1x16xf32>,
        %get3A_381 = vector.shape_cast %get3A_380 : vector<1x1x16xf32> to vector<16xf32>
        %mul3A_382 = arith.constant 8.000000e+00 : f32
        %mul3A_383 = vector.broadcast %mul3A_382 : f32 to vector<16xf32>
        %mul3A_384 = arith.mulf %get3A_381, %mul3A_383 : vector<16xf32>
        %get3A_385 = arith.index_cast %add3A_335 : i32 to index
        %get3A_386 = arith.constant 32 : index
        %get3A_387 = tpu.vector_load %arg8[%get3A_385, %get3A_386] {strides = array<i32>} : memref<200x64xf32, #tpu.memory_space<vmem>>, vector<1x16xf32>,
        %get3A_388 = vector.shape_cast %get3A_387 : vector<1x16xf32> to vector<16xf32>
        %add3A_389 = arith.addf %mul3A_384, %get3A_388 : vector<16xf32>
        %swap3A_390 = arith.constant 2 : i32
        %swap3A_391 = arith.index_cast %swap3A_390 : i32 to index
        %swap3A_392 = arith.index_cast %add3A_335 : i32 to index
        %swap3A_393 = arith.constant 32 : index
        %swap3A_394 = tpu.vector_load %arg7[%swap3A_391, %swap3A_392, %swap3A_393] {strides = array<i32>} : memref<4x200x64xf32, #tpu.memory_space<vmem>>, vector<1x1x16xf32>,
        %swap3A_395 = vector.shape_cast %swap3A_394 : vector<1x1x16xf32> to vector<16xf32>
        %swap3A_396 = vector.shape_cast %add3A_389 : vector<16xf32> to vector<1x1x16xf32>
        tpu.vector_store %arg7[%swap3A_391, %swap3A_392, %swap3A_393], %swap3A_396 {strides = array<i32>} : memref<4x200x64xf32, #tpu.memory_space<vmem>>, vector<1x1x16xf32>,
        %get3A_397 = arith.constant 2 : i32
        %get3A_398 = arith.index_cast %get3A_397 : i32 to index
        %get3A_399 = arith.index_cast %add3A_335 : i32 to index
        %get3A_400 = arith.constant 48 : index
        %get3A_401 = tpu.vector_load %arg7[%get3A_398, %get3A_399, %get3A_400] {strides = array<i32>} : memref<4x200x64xf32, #tpu.memory_space<vmem>>, vector<1x1x16xf32>,
        %get3A_402 = vector.shape_cast %get3A_401 : vector<1x1x16xf32> to vector<16xf32>
        %mul3A_403 = arith.constant 8.000000e+00 : f32
        %mul3A_404 = vector.broadcast %mul3A_403 : f32 to vector<16xf32>
        %mul3A_405 = arith.mulf %get3A_402, %mul3A_404 : vector<16xf32>
        %get3A_406 = arith.index_cast %add3A_335 : i32 to index
        %get3A_407 = arith.constant 48 : index
        %get3A_408 = tpu.vector_load %arg8[%get3A_406, %get3A_407] {strides = array<i32>} : memref<200x64xf32, #tpu.memory_space<vmem>>, vector<1x16xf32>,
        %get3A_409 = vector.shape_cast %get3A_408 : vector<1x16xf32> to vector<16xf32>
        %add3A_410 = arith.addf %mul3A_405, %get3A_409 : vector<16xf32>
        %swap3A_411 = arith.constant 2 : i32
        %swap3A_412 = arith.index_cast %swap3A_411 : i32 to index
        %swap3A_413 = arith.index_cast %add3A_335 : i32 to index
        %swap3A_414 = arith.constant 48 : index
        %swap3A_415 = tpu.vector_load %arg7[%swap3A_412, %swap3A_413, %swap3A_414] {strides = array<i32>} : memref<4x200x64xf32, #tpu.memory_space<vmem>>, vector<1x1x16xf32>,
        %swap3A_416 = vector.shape_cast %swap3A_415 : vector<1x1x16xf32> to vector<16xf32>
        %swap3A_417 = vector.shape_cast %add3A_410 : vector<16xf32> to vector<1x1x16xf32>
        tpu.vector_store %arg7[%swap3A_412, %swap3A_413, %swap3A_414], %swap3A_417 {strides = array<i32>} : memref<4x200x64xf32, #tpu.memory_space<vmem>>, vector<1x1x16xf32>,
        %mul3A_418 = arith.constant 2 : i32
        %mul3A_419 = arith.muli %scan3A_331, %mul3A_418 : i32
        %add3A_420 = arith.constant 1 : i32
        %add3A_421 = arith.addi %mul3A_419, %add3A_420 : i32
        %get3A_422 = arith.constant 2 : i32
        %get3A_423 = arith.index_cast %get3A_422 : i32 to index
        %get3A_424 = arith.index_cast %add3A_421 : i32 to index
        %get3A_425 = arith.constant 0 : index
        %get3A_426 = tpu.vector_load %arg7[%get3A_423, %get3A_424, %get3A_425] {strides = array<i32>} : memref<4x200x64xf32, #tpu.memory_space<vmem>>, vector<1x1x16xf32>,
        %get3A_427 = vector.shape_cast %get3A_426 : vector<1x1x16xf32> to vector<16xf32>
        %mul3A_428 = arith.constant 8.000000e+00 : f32
        %mul3A_429 = vector.broadcast %mul3A_428 : f32 to vector<16xf32>
        %mul3A_430 = arith.mulf %get3A_427, %mul3A_429 : vector<16xf32>
        %get3A_431 = arith.index_cast %add3A_421 : i32 to index
        %get3A_432 = arith.constant 0 : index
        %get3A_433 = tpu.vector_load %arg8[%get3A_431, %get3A_432] {strides = array<i32>} : memref<200x64xf32, #tpu.memory_space<vmem>>, vector<1x16xf32>,
        %get3A_434 = vector.shape_cast %get3A_433 : vector<1x16xf32> to vector<16xf32>
        %add3A_435 = arith.addf %mul3A_430, %get3A_434 : vector<16xf32>
        %swap3A_436 = arith.constant 2 : i32
        %swap3A_437 = arith.index_cast %swap3A_436 : i32 to index
        %swap3A_438 = arith.index_cast %add3A_421 : i32 to index
        %swap3A_439 = arith.constant 0 : index
        %swap3A_440 = tpu.vector_load %arg7[%swap3A_437, %swap3A_438, %swap3A_439] {strides = array<i32>} : memref<4x200x64xf32, #tpu.memory_space<vmem>>, vector<1x1x16xf32>,
        %swap3A_441 = vector.shape_cast %swap3A_440 : vector<1x1x16xf32> to vector<16xf32>
        %swap3A_442 = vector.shape_cast %add3A_435 : vector<16xf32> to vector<1x1x16xf32>
        tpu.vector_store %arg7[%swap3A_437, %swap3A_438, %swap3A_439], %swap3A_442 {strides = array<i32>} : memref<4x200x64xf32, #tpu.memory_space<vmem>>, vector<1x1x16xf32>,
        %get3A_443 = arith.constant 2 : i32
        %get3A_444 = arith.index_cast %get3A_443 : i32 to index
        %get3A_445 = arith.index_cast %add3A_421 : i32 to index
        %get3A_446 = arith.constant 16 : index
        %get3A_447 = tpu.vector_load %arg7[%get3A_444, %get3A_445, %get3A_446] {strides = array<i32>} : memref<4x200x64xf32, #tpu.memory_space<vmem>>, vector<1x1x16xf32>,
        %get3A_448 = vector.shape_cast %get3A_447 : vector<1x1x16xf32> to vector<16xf32>
        %mul3A_449 = arith.constant 8.000000e+00 : f32
        %mul3A_450 = vector.broadcast %mul3A_449 : f32 to vector<16xf32>
        %mul3A_451 = arith.mulf %get3A_448, %mul3A_450 : vector<16xf32>
        %get3A_452 = arith.index_cast %add3A_421 : i32 to index
        %get3A_453 = arith.constant 16 : index
        %get3A_454 = tpu.vector_load %arg8[%get3A_452, %get3A_453] {strides = array<i32>} : memref<200x64xf32, #tpu.memory_space<vmem>>, vector<1x16xf32>,
        %get3A_455 = vector.shape_cast %get3A_454 : vector<1x16xf32> to vector<16xf32>
        %add3A_456 = arith.addf %mul3A_451, %get3A_455 : vector<16xf32>
        %swap3A_457 = arith.constant 2 : i32
        %swap3A_458 = arith.index_cast %swap3A_457 : i32 to index
        %swap3A_459 = arith.index_cast %add3A_421 : i32 to index
        %swap3A_460 = arith.constant 16 : index
        %swap3A_461 = tpu.vector_load %arg7[%swap3A_458, %swap3A_459, %swap3A_460] {strides = array<i32>} : memref<4x200x64xf32, #tpu.memory_space<vmem>>, vector<1x1x16xf32>,
        %swap3A_462 = vector.shape_cast %swap3A_461 : vector<1x1x16xf32> to vector<16xf32>
        %swap3A_463 = vector.shape_cast %add3A_456 : vector<16xf32> to vector<1x1x16xf32>
        tpu.vector_store %arg7[%swap3A_458, %swap3A_459, %swap3A_460], %swap3A_463 {strides = array<i32>} : memref<4x200x64xf32, #tpu.memory_space<vmem>>, vector<1x1x16xf32>,
        %get3A_464 = arith.constant 2 : i32
        %get3A_465 = arith.index_cast %get3A_464 : i32 to index
        %get3A_466 = arith.index_cast %add3A_421 : i32 to index
        %get3A_467 = arith.constant 32 : index
        %get3A_468 = tpu.vector_load %arg7[%get3A_465, %get3A_466, %get3A_467] {strides = array<i32>} : memref<4x200x64xf32, #tpu.memory_space<vmem>>, vector<1x1x16xf32>,
        %get3A_469 = vector.shape_cast %get3A_468 : vector<1x1x16xf32> to vector<16xf32>
        %mul3A_470 = arith.constant 8.000000e+00 : f32
        %mul3A_471 = vector.broadcast %mul3A_470 : f32 to vector<16xf32>
        %mul3A_472 = arith.mulf %get3A_469, %mul3A_471 : vector<16xf32>
        %get3A_473 = arith.index_cast %add3A_421 : i32 to index
        %get3A_474 = arith.constant 32 : index
        %get3A_475 = tpu.vector_load %arg8[%get3A_473, %get3A_474] {strides = array<i32>} : memref<200x64xf32, #tpu.memory_space<vmem>>, vector<1x16xf32>,
        %get3A_476 = vector.shape_cast %get3A_475 : vector<1x16xf32> to vector<16xf32>
        %add3A_477 = arith.addf %mul3A_472, %get3A_476 : vector<16xf32>
        %swap3A_478 = arith.constant 2 : i32
        %swap3A_479 = arith.index_cast %swap3A_478 : i32 to index
        %swap3A_480 = arith.index_cast %add3A_421 : i32 to index
        %swap3A_481 = arith.constant 32 : index
        %swap3A_482 = tpu.vector_load %arg7[%swap3A_479, %swap3A_480, %swap3A_481] {strides = array<i32>} : memref<4x200x64xf32, #tpu.memory_space<vmem>>, vector<1x1x16xf32>,
        %swap3A_483 = vector.shape_cast %swap3A_482 : vector<1x1x16xf32> to vector<16xf32>
        %swap3A_484 = vector.shape_cast %add3A_477 : vector<16xf32> to vector<1x1x16xf32>
        tpu.vector_store %arg7[%swap3A_479, %swap3A_480, %swap3A_481], %swap3A_484 {strides = array<i32>} : memref<4x200x64xf32, #tpu.memory_space<vmem>>, vector<1x1x16xf32>,
        %get3A_485 = arith.constant 2 : i32
        %get3A_486 = arith.index_cast %get3A_485 : i32 to index
        %get3A_487 = arith.index_cast %add3A_421 : i32 to index
        %get3A_488 = arith.constant 48 : index
        %get3A_489 = tpu.vector_load %arg7[%get3A_486, %get3A_487, %get3A_488] {strides = array<i32>} : memref<4x200x64xf32, #tpu.memory_space<vmem>>, vector<1x1x16xf32>,
        %get3A_490 = vector.shape_cast %get3A_489 : vector<1x1x16xf32> to vector<16xf32>
        %mul3A_491 = arith.constant 8.000000e+00 : f32
        %mul3A_492 = vector.broadcast %mul3A_491 : f32 to vector<16xf32>
        %mul3A_493 = arith.mulf %get3A_490, %mul3A_492 : vector<16xf32>
        %get3A_494 = arith.index_cast %add3A_421 : i32 to index
        %get3A_495 = arith.constant 48 : index
        %get3A_496 = tpu.vector_load %arg8[%get3A_494, %get3A_495] {strides = array<i32>} : memref<200x64xf32, #tpu.memory_space<vmem>>, vector<1x16xf32>,
        %get3A_497 = vector.shape_cast %get3A_496 : vector<1x16xf32> to vector<16xf32>
        %add3A_498 = arith.addf %mul3A_493, %get3A_497 : vector<16xf32>
        %swap3A_499 = arith.constant 2 : i32
        %swap3A_500 = arith.index_cast %swap3A_499 : i32 to index
        %swap3A_501 = arith.index_cast %add3A_421 : i32 to index
        %swap3A_502 = arith.constant 48 : index
        %swap3A_503 = tpu.vector_load %arg7[%swap3A_500, %swap3A_501, %swap3A_502] {strides = array<i32>} : memref<4x200x64xf32, #tpu.memory_space<vmem>>, vector<1x1x16xf32>,
        %swap3A_504 = vector.shape_cast %swap3A_503 : vector<1x1x16xf32> to vector<16xf32>
        %swap3A_505 = vector.shape_cast %add3A_498 : vector<16xf32> to vector<1x1x16xf32>
        tpu.vector_store %arg7[%swap3A_500, %swap3A_501, %swap3A_502], %swap3A_505 {strides = array<i32>} : memref<4x200x64xf32, #tpu.memory_space<vmem>>, vector<1x1x16xf32>,
      }
      %scan3A_248 = arith.constant 100 : i32
      %add3A_249 = arith.addi %mul3A_2, %add3A_224 : i32
      %dma_start3A_250 = arith.constant 2 : i32
      %dma_start3A_251 = arith.constant 0 : i32
      %dma_start3A_252 = arith.constant 0 : i32
      %dma_start3A_253 = tpu.memref_slice %arg7[%dma_start3A_250, %dma_start3A_251, %dma_start3A_252] : memref<4x200x64xf32, #tpu.memory_space<vmem>> -> memref<1x200x64xf32, #tpu.memory_space<vmem>>
      %dma_start3A_254 = tpu.memref_squeeze %dma_start3A_253 : memref<1x200x64xf32, #tpu.memory_space<vmem>> -> memref<200x64xf32, #tpu.memory_space<vmem>>
      %dma_start3A_255 = arith.constant 0 : i32
      %dma_start3A_256 = arith.constant 0 : i32
      %dma_start3A_257 = tpu.memref_slice %arg5[%add3A_249, %dma_start3A_255, %dma_start3A_256] : memref<1024x200x64xf32, #tpu.memory_space<hbm>> -> memref<1x200x64xf32, #tpu.memory_space<hbm>>
      %dma_start3A_258 = tpu.memref_squeeze %dma_start3A_257 : memref<1x200x64xf32, #tpu.memory_space<hbm>> -> memref<200x64xf32, #tpu.memory_space<hbm>>
      %dma_start3A_259 = arith.constant 0 : i32
      %dma_start3A_260 = arith.constant 0 : i32
      %dma_start3A_261 = tpu.memref_slice %arg5[%add3A_249, %dma_start3A_259, %dma_start3A_260] : memref<1024x200x64xf32, #tpu.memory_space<hbm>> -> memref<1x200x64xf32, #tpu.memory_space<hbm>>
      %dma_start3A_262 = tpu.memref_squeeze %dma_start3A_261 : memref<1x200x64xf32, #tpu.memory_space<hbm>> -> memref<200x64xf32, #tpu.memory_space<hbm>>
      %dma_start3A_263 = arith.constant 0 : i32
      %dma_start3A_264 = arith.constant 0 : i32
      %dma_start3A_265 = tpu.memref_slice %arg7[%dma_start3A_250, %dma_start3A_263, %dma_start3A_264] : memref<4x200x64xf32, #tpu.memory_space<vmem>> -> memref<1x200x64xf32, #tpu.memory_space<vmem>>
      %dma_start3A_266 = tpu.memref_squeeze %dma_start3A_265 : memref<1x200x64xf32, #tpu.memory_space<vmem>> -> memref<200x64xf32, #tpu.memory_space<vmem>>
      tpu.enqueue_dma source(%dma_start3A_266 : memref<200x64xf32, #tpu.memory_space<vmem>>) target(%dma_start3A_262 : memref<200x64xf32, #tpu.memory_space<hbm>>) target_semaphore(%arg10 : memref<!tpu.dma_semaphore, #tpu.memory_space<semaphore_mem>>)
      %add3A_267 = arith.constant 4 : i32
      %add3A_268 = arith.addi %add3A_224, %add3A_267 : i32
      %sub3A_269 = arith.constant 1 : i32
      %sub3A_270 = arith.subi %add3A_268, %sub3A_269 : i32
      %lt3A_271 = arith.constant 32 : i32
      %lt3A_272 = arith.cmpi slt, %sub3A_270, %lt3A_271 : i32
      %convert_element_type3A_273 = arith.extui %lt3A_272 : i1 to i32
      %cond3A_274 = arith.constant 0 : i32
      %cond3A_275 = arith.cmpi ne, %convert_element_type3A_273, %cond3A_274 : i32
      scf.if %cond3A_275 {
        %ge3A = arith.constant 1 : i32
        %ge3A_331 = arith.cmpi sge, %add3A_224, %ge3A : i32
        %convert_element_type3A_332 = arith.extui %ge3A_331 : i1 to i32
        %cond3A_333 = arith.constant 0 : i32
        %cond3A_334 = arith.cmpi ne, %convert_element_type3A_332, %cond3A_333 : i32
        scf.if %cond3A_334 {
          %dma_wait3A_346 = arith.constant 0 : i32
          %dma_wait3A_347 = arith.constant 1 : i32
          %dma_wait3A_348 = arith.constant 0 : i32
          %dma_wait3A_349 = arith.constant 0 : i32
          %dma_wait3A_350 = tpu.memref_slice %arg7[%dma_wait3A_347, %dma_wait3A_348, %dma_wait3A_349] : memref<4x200x64xf32, #tpu.memory_space<vmem>> -> memref<1x200x64xf32, #tpu.memory_space<vmem>>
          %dma_wait3A_351 = tpu.memref_squeeze %dma_wait3A_350 : memref<1x200x64xf32, #tpu.memory_space<vmem>> -> memref<200x64xf32, #tpu.memory_space<vmem>>
          %dma_wait3A_352 = arith.constant 0 : i32
          %dma_wait3A_353 = arith.constant 0 : i32
          %dma_wait3A_354 = tpu.memref_slice %arg5[%dma_wait3A_346, %dma_wait3A_352, %dma_wait3A_353] : memref<1024x200x64xf32, #tpu.memory_space<hbm>> -> memref<1x200x64xf32, #tpu.memory_space<hbm>>
          %dma_wait3A_355 = tpu.memref_squeeze %dma_wait3A_354 : memref<1x200x64xf32, #tpu.memory_space<hbm>> -> memref<200x64xf32, #tpu.memory_space<hbm>>
          %dma_wait3A_356 = arith.constant 0 : i32
          %dma_wait3A_357 = arith.constant 0 : i32
          %dma_wait3A_358 = tpu.memref_slice %arg7[%dma_wait3A_347, %dma_wait3A_356, %dma_wait3A_357] : memref<4x200x64xf32, #tpu.memory_space<vmem>> -> memref<1x200x64xf32, #tpu.memory_space<vmem>>
          %dma_wait3A_359 = tpu.memref_squeeze %dma_wait3A_358 : memref<1x200x64xf32, #tpu.memory_space<vmem>> -> memref<200x64xf32, #tpu.memory_space<vmem>>
          %dma_wait3A_360 = arith.constant 0 : i32
          %dma_wait3A_361 = arith.constant 0 : i32
          %dma_wait3A_362 = tpu.memref_slice %arg5[%dma_wait3A_346, %dma_wait3A_360, %dma_wait3A_361] : memref<1024x200x64xf32, #tpu.memory_space<hbm>> -> memref<1x200x64xf32, #tpu.memory_space<hbm>>
          %dma_wait3A_363 = tpu.memref_squeeze %dma_wait3A_362 : memref<1x200x64xf32, #tpu.memory_space<hbm>> -> memref<200x64xf32, #tpu.memory_space<hbm>>
          tpu.wait_dma2 semaphore(%arg10 : memref<!tpu.dma_semaphore, #tpu.memory_space<semaphore_mem>>) src(%dma_wait3A_363 : memref<200x64xf32, #tpu.memory_space<hbm>>) dst(%dma_wait3A_359 : memref<200x64xf32, #tpu.memory_space<vmem>>)
        } else {
        }
        %dma_start3A_335 = arith.constant 1 : i32
        %dma_start3A_336 = arith.constant 0 : i32
        %dma_start3A_337 = arith.constant 0 : i32
        %dma_start3A_338 = tpu.memref_slice %arg7[%dma_start3A_335, %dma_start3A_336, %dma_start3A_337] : memref<4x200x64xf32, #tpu.memory_space<vmem>> -> memref<1x200x64xf32, #tpu.memory_space<vmem>>
        %dma_start3A_339 = tpu.memref_squeeze %dma_start3A_338 : memref<1x200x64xf32, #tpu.memory_space<vmem>> -> memref<200x64xf32, #tpu.memory_space<vmem>>
        %dma_start3A_340 = arith.constant 0 : i32
        %dma_start3A_341 = tpu.memref_slice %arg6[%sub3A_270, %dma_start3A_340] : memref<32x200xi32, #tpu.memory_space<vmem>> -> memref<1x200xi32, #tpu.memory_space<vmem>>
        %dma_start3A_342 = tpu.memref_squeeze %dma_start3A_341 : memref<1x200xi32, #tpu.memory_space<vmem>> -> memref<200xi32, #tpu.memory_space<vmem>>
        %dma_start3A_343 = arith.constant 0 : i32
        %dma_start3A_344 = arith.constant 0 : i32
        %dma_start3A_345 = tpu.memref_slice %arg3[%dma_start3A_343, %dma_start3A_344] : memref<1000000x64xf32, #tpu.memory_space<hbm>> -> memref<1000000x64xf32, #tpu.memory_space<hbm>>
        tpu.enqueue_indirect_dma source(%dma_start3A_345 : memref<1000000x64xf32, #tpu.memory_space<hbm>>) target(%dma_start3A_339 : memref<200x64xf32, #tpu.memory_space<vmem>>) offsets(%dma_start3A_342 : memref<200xi32, #tpu.memory_space<vmem>>) semaphore(%arg9 : memref<!tpu.dma_semaphore, #tpu.memory_space<semaphore_mem>>)
      } else {
      }
      %mul3A_276 = arith.constant 4 : i32
      %mul3A_277 = arith.muli %scan3A_114, %mul3A_276 : i32
      %add3A_278 = arith.constant 3 : i32
      %add3A_279 = arith.addi %mul3A_277, %add3A_278 : i32
      %dma_wait3A_280 = arith.constant 0 : i32
      %dma_wait3A_281 = arith.constant 3 : i32
      %dma_wait3A_282 = arith.constant 0 : i32
      %dma_wait3A_283 = arith.constant 0 : i32
      %dma_wait3A_284 = tpu.memref_slice %arg7[%dma_wait3A_281, %dma_wait3A_282, %dma_wait3A_283] : memref<4x200x64xf32, #tpu.memory_space<vmem>> -> memref<1x200x64xf32, #tpu.memory_space<vmem>>
      %dma_wait3A_285 = tpu.memref_squeeze %dma_wait3A_284 : memref<1x200x64xf32, #tpu.memory_space<vmem>> -> memref<200x64xf32, #tpu.memory_space<vmem>>
      %dma_wait3A_286 = arith.constant 0 : i32
      %dma_wait3A_287 = arith.constant 0 : i32
      %dma_wait3A_288 = tpu.memref_slice %arg5[%dma_wait3A_280, %dma_wait3A_286, %dma_wait3A_287] : memref<1024x200x64xf32, #tpu.memory_space<hbm>> -> memref<1x200x64xf32, #tpu.memory_space<hbm>>
      %dma_wait3A_289 = tpu.memref_squeeze %dma_wait3A_288 : memref<1x200x64xf32, #tpu.memory_space<hbm>> -> memref<200x64xf32, #tpu.memory_space<hbm>>
      %dma_wait3A_290 = arith.constant 0 : i32
      %dma_wait3A_291 = arith.constant 0 : i32
      %dma_wait3A_292 = tpu.memref_slice %arg7[%dma_wait3A_281, %dma_wait3A_290, %dma_wait3A_291] : memref<4x200x64xf32, #tpu.memory_space<vmem>> -> memref<1x200x64xf32, #tpu.memory_space<vmem>>
      %dma_wait3A_293 = tpu.memref_squeeze %dma_wait3A_292 : memref<1x200x64xf32, #tpu.memory_space<vmem>> -> memref<200x64xf32, #tpu.memory_space<vmem>>
      %dma_wait3A_294 = arith.constant 0 : i32
      %dma_wait3A_295 = arith.constant 0 : i32
      %dma_wait3A_296 = tpu.memref_slice %arg5[%dma_wait3A_280, %dma_wait3A_294, %dma_wait3A_295] : memref<1024x200x64xf32, #tpu.memory_space<hbm>> -> memref<1x200x64xf32, #tpu.memory_space<hbm>>
      %dma_wait3A_297 = tpu.memref_squeeze %dma_wait3A_296 : memref<1x200x64xf32, #tpu.memory_space<hbm>> -> memref<200x64xf32, #tpu.memory_space<hbm>>
      tpu.wait_dma2 semaphore(%arg9 : memref<!tpu.dma_semaphore, #tpu.memory_space<semaphore_mem>>) src(%dma_wait3A_297 : memref<200x64xf32, #tpu.memory_space<hbm>>) dst(%dma_wait3A_293 : memref<200x64xf32, #tpu.memory_space<vmem>>)
      %scan3A_298 = arith.constant 0 : i32
      %scan3A_299 = arith.constant 0 : i32
      %scan3A_300 = arith.constant 100 : i32
      %scan3A_301 = arith.addi %scan3A_299, %scan3A_300 : i32
      %scan3A_302 = arith.constant 1 : i32
      scf.for %scan3A_331 = %scan3A_299 to %scan3A_301 step %scan3A_302  : i32 {
        %mul3A_332 = arith.constant 2 : i32
        %mul3A_333 = arith.muli %scan3A_331, %mul3A_332 : i32
        %add3A_334 = arith.constant 0 : i32
        %add3A_335 = arith.addi %mul3A_333, %add3A_334 : i32
        %get3A = arith.constant 3 : i32
        %get3A_336 = arith.index_cast %get3A : i32 to index
        %get3A_337 = arith.index_cast %add3A_335 : i32 to index
        %get3A_338 = arith.constant 0 : index
        %get3A_339 = tpu.vector_load %arg7[%get3A_336, %get3A_337, %get3A_338] {strides = array<i32>} : memref<4x200x64xf32, #tpu.memory_space<vmem>>, vector<1x1x16xf32>,
        %get3A_340 = vector.shape_cast %get3A_339 : vector<1x1x16xf32> to vector<16xf32>
        %mul3A_341 = arith.constant 8.000000e+00 : f32
        %mul3A_342 = vector.broadcast %mul3A_341 : f32 to vector<16xf32>
        %mul3A_343 = arith.mulf %get3A_340, %mul3A_342 : vector<16xf32>
        %get3A_344 = arith.index_cast %add3A_335 : i32 to index
        %get3A_345 = arith.constant 0 : index
        %get3A_346 = tpu.vector_load %arg8[%get3A_344, %get3A_345] {strides = array<i32>} : memref<200x64xf32, #tpu.memory_space<vmem>>, vector<1x16xf32>,
        %get3A_347 = vector.shape_cast %get3A_346 : vector<1x16xf32> to vector<16xf32>
        %add3A_348 = arith.addf %mul3A_343, %get3A_347 : vector<16xf32>
        %swap3A = arith.constant 3 : i32
        %swap3A_349 = arith.index_cast %swap3A : i32 to index
        %swap3A_350 = arith.index_cast %add3A_335 : i32 to index
        %swap3A_351 = arith.constant 0 : index
        %swap3A_352 = tpu.vector_load %arg7[%swap3A_349, %swap3A_350, %swap3A_351] {strides = array<i32>} : memref<4x200x64xf32, #tpu.memory_space<vmem>>, vector<1x1x16xf32>,
        %swap3A_353 = vector.shape_cast %swap3A_352 : vector<1x1x16xf32> to vector<16xf32>
        %swap3A_354 = vector.shape_cast %add3A_348 : vector<16xf32> to vector<1x1x16xf32>
        tpu.vector_store %arg7[%swap3A_349, %swap3A_350, %swap3A_351], %swap3A_354 {strides = array<i32>} : memref<4x200x64xf32, #tpu.memory_space<vmem>>, vector<1x1x16xf32>,
        %get3A_355 = arith.constant 3 : i32
        %get3A_356 = arith.index_cast %get3A_355 : i32 to index
        %get3A_357 = arith.index_cast %add3A_335 : i32 to index
        %get3A_358 = arith.constant 16 : index
        %get3A_359 = tpu.vector_load %arg7[%get3A_356, %get3A_357, %get3A_358] {strides = array<i32>} : memref<4x200x64xf32, #tpu.memory_space<vmem>>, vector<1x1x16xf32>,
        %get3A_360 = vector.shape_cast %get3A_359 : vector<1x1x16xf32> to vector<16xf32>
        %mul3A_361 = arith.constant 8.000000e+00 : f32
        %mul3A_362 = vector.broadcast %mul3A_361 : f32 to vector<16xf32>
        %mul3A_363 = arith.mulf %get3A_360, %mul3A_362 : vector<16xf32>
        %get3A_364 = arith.index_cast %add3A_335 : i32 to index
        %get3A_365 = arith.constant 16 : index
        %get3A_366 = tpu.vector_load %arg8[%get3A_364, %get3A_365] {strides = array<i32>} : memref<200x64xf32, #tpu.memory_space<vmem>>, vector<1x16xf32>,
        %get3A_367 = vector.shape_cast %get3A_366 : vector<1x16xf32> to vector<16xf32>
        %add3A_368 = arith.addf %mul3A_363, %get3A_367 : vector<16xf32>
        %swap3A_369 = arith.constant 3 : i32
        %swap3A_370 = arith.index_cast %swap3A_369 : i32 to index
        %swap3A_371 = arith.index_cast %add3A_335 : i32 to index
        %swap3A_372 = arith.constant 16 : index
        %swap3A_373 = tpu.vector_load %arg7[%swap3A_370, %swap3A_371, %swap3A_372] {strides = array<i32>} : memref<4x200x64xf32, #tpu.memory_space<vmem>>, vector<1x1x16xf32>,
        %swap3A_374 = vector.shape_cast %swap3A_373 : vector<1x1x16xf32> to vector<16xf32>
        %swap3A_375 = vector.shape_cast %add3A_368 : vector<16xf32> to vector<1x1x16xf32>
        tpu.vector_store %arg7[%swap3A_370, %swap3A_371, %swap3A_372], %swap3A_375 {strides = array<i32>} : memref<4x200x64xf32, #tpu.memory_space<vmem>>, vector<1x1x16xf32>,
        %get3A_376 = arith.constant 3 : i32
        %get3A_377 = arith.index_cast %get3A_376 : i32 to index
        %get3A_378 = arith.index_cast %add3A_335 : i32 to index
        %get3A_379 = arith.constant 32 : index
        %get3A_380 = tpu.vector_load %arg7[%get3A_377, %get3A_378, %get3A_379] {strides = array<i32>} : memref<4x200x64xf32, #tpu.memory_space<vmem>>, vector<1x1x16xf32>,
        %get3A_381 = vector.shape_cast %get3A_380 : vector<1x1x16xf32> to vector<16xf32>
        %mul3A_382 = arith.constant 8.000000e+00 : f32
        %mul3A_383 = vector.broadcast %mul3A_382 : f32 to vector<16xf32>
        %mul3A_384 = arith.mulf %get3A_381, %mul3A_383 : vector<16xf32>
        %get3A_385 = arith.index_cast %add3A_335 : i32 to index
        %get3A_386 = arith.constant 32 : index
        %get3A_387 = tpu.vector_load %arg8[%get3A_385, %get3A_386] {strides = array<i32>} : memref<200x64xf32, #tpu.memory_space<vmem>>, vector<1x16xf32>,
        %get3A_388 = vector.shape_cast %get3A_387 : vector<1x16xf32> to vector<16xf32>
        %add3A_389 = arith.addf %mul3A_384, %get3A_388 : vector<16xf32>
        %swap3A_390 = arith.constant 3 : i32
        %swap3A_391 = arith.index_cast %swap3A_390 : i32 to index
        %swap3A_392 = arith.index_cast %add3A_335 : i32 to index
        %swap3A_393 = arith.constant 32 : index
        %swap3A_394 = tpu.vector_load %arg7[%swap3A_391, %swap3A_392, %swap3A_393] {strides = array<i32>} : memref<4x200x64xf32, #tpu.memory_space<vmem>>, vector<1x1x16xf32>,
        %swap3A_395 = vector.shape_cast %swap3A_394 : vector<1x1x16xf32> to vector<16xf32>
        %swap3A_396 = vector.shape_cast %add3A_389 : vector<16xf32> to vector<1x1x16xf32>
        tpu.vector_store %arg7[%swap3A_391, %swap3A_392, %swap3A_393], %swap3A_396 {strides = array<i32>} : memref<4x200x64xf32, #tpu.memory_space<vmem>>, vector<1x1x16xf32>,
        %get3A_397 = arith.constant 3 : i32
        %get3A_398 = arith.index_cast %get3A_397 : i32 to index
        %get3A_399 = arith.index_cast %add3A_335 : i32 to index
        %get3A_400 = arith.constant 48 : index
        %get3A_401 = tpu.vector_load %arg7[%get3A_398, %get3A_399, %get3A_400] {strides = array<i32>} : memref<4x200x64xf32, #tpu.memory_space<vmem>>, vector<1x1x16xf32>,
        %get3A_402 = vector.shape_cast %get3A_401 : vector<1x1x16xf32> to vector<16xf32>
        %mul3A_403 = arith.constant 8.000000e+00 : f32
        %mul3A_404 = vector.broadcast %mul3A_403 : f32 to vector<16xf32>
        %mul3A_405 = arith.mulf %get3A_402, %mul3A_404 : vector<16xf32>
        %get3A_406 = arith.index_cast %add3A_335 : i32 to index
        %get3A_407 = arith.constant 48 : index
        %get3A_408 = tpu.vector_load %arg8[%get3A_406, %get3A_407] {strides = array<i32>} : memref<200x64xf32, #tpu.memory_space<vmem>>, vector<1x16xf32>,
        %get3A_409 = vector.shape_cast %get3A_408 : vector<1x16xf32> to vector<16xf32>
        %add3A_410 = arith.addf %mul3A_405, %get3A_409 : vector<16xf32>
        %swap3A_411 = arith.constant 3 : i32
        %swap3A_412 = arith.index_cast %swap3A_411 : i32 to index
        %swap3A_413 = arith.index_cast %add3A_335 : i32 to index
        %swap3A_414 = arith.constant 48 : index
        %swap3A_415 = tpu.vector_load %arg7[%swap3A_412, %swap3A_413, %swap3A_414] {strides = array<i32>} : memref<4x200x64xf32, #tpu.memory_space<vmem>>, vector<1x1x16xf32>,
        %swap3A_416 = vector.shape_cast %swap3A_415 : vector<1x1x16xf32> to vector<16xf32>
        %swap3A_417 = vector.shape_cast %add3A_410 : vector<16xf32> to vector<1x1x16xf32>
        tpu.vector_store %arg7[%swap3A_412, %swap3A_413, %swap3A_414], %swap3A_417 {strides = array<i32>} : memref<4x200x64xf32, #tpu.memory_space<vmem>>, vector<1x1x16xf32>,
        %mul3A_418 = arith.constant 2 : i32
        %mul3A_419 = arith.muli %scan3A_331, %mul3A_418 : i32
        %add3A_420 = arith.constant 1 : i32
        %add3A_421 = arith.addi %mul3A_419, %add3A_420 : i32
        %get3A_422 = arith.constant 3 : i32
        %get3A_423 = arith.index_cast %get3A_422 : i32 to index
        %get3A_424 = arith.index_cast %add3A_421 : i32 to index
        %get3A_425 = arith.constant 0 : index
        %get3A_426 = tpu.vector_load %arg7[%get3A_423, %get3A_424, %get3A_425] {strides = array<i32>} : memref<4x200x64xf32, #tpu.memory_space<vmem>>, vector<1x1x16xf32>,
        %get3A_427 = vector.shape_cast %get3A_426 : vector<1x1x16xf32> to vector<16xf32>
        %mul3A_428 = arith.constant 8.000000e+00 : f32
        %mul3A_429 = vector.broadcast %mul3A_428 : f32 to vector<16xf32>
        %mul3A_430 = arith.mulf %get3A_427, %mul3A_429 : vector<16xf32>
        %get3A_431 = arith.index_cast %add3A_421 : i32 to index
        %get3A_432 = arith.constant 0 : index
        %get3A_433 = tpu.vector_load %arg8[%get3A_431, %get3A_432] {strides = array<i32>} : memref<200x64xf32, #tpu.memory_space<vmem>>, vector<1x16xf32>,
        %get3A_434 = vector.shape_cast %get3A_433 : vector<1x16xf32> to vector<16xf32>
        %add3A_435 = arith.addf %mul3A_430, %get3A_434 : vector<16xf32>
        %swap3A_436 = arith.constant 3 : i32
        %swap3A_437 = arith.index_cast %swap3A_436 : i32 to index
        %swap3A_438 = arith.index_cast %add3A_421 : i32 to index
        %swap3A_439 = arith.constant 0 : index
        %swap3A_440 = tpu.vector_load %arg7[%swap3A_437, %swap3A_438, %swap3A_439] {strides = array<i32>} : memref<4x200x64xf32, #tpu.memory_space<vmem>>, vector<1x1x16xf32>,
        %swap3A_441 = vector.shape_cast %swap3A_440 : vector<1x1x16xf32> to vector<16xf32>
        %swap3A_442 = vector.shape_cast %add3A_435 : vector<16xf32> to vector<1x1x16xf32>
        tpu.vector_store %arg7[%swap3A_437, %swap3A_438, %swap3A_439], %swap3A_442 {strides = array<i32>} : memref<4x200x64xf32, #tpu.memory_space<vmem>>, vector<1x1x16xf32>,
        %get3A_443 = arith.constant 3 : i32
        %get3A_444 = arith.index_cast %get3A_443 : i32 to index
        %get3A_445 = arith.index_cast %add3A_421 : i32 to index
        %get3A_446 = arith.constant 16 : index
        %get3A_447 = tpu.vector_load %arg7[%get3A_444, %get3A_445, %get3A_446] {strides = array<i32>} : memref<4x200x64xf32, #tpu.memory_space<vmem>>, vector<1x1x16xf32>,
        %get3A_448 = vector.shape_cast %get3A_447 : vector<1x1x16xf32> to vector<16xf32>
        %mul3A_449 = arith.constant 8.000000e+00 : f32
        %mul3A_450 = vector.broadcast %mul3A_449 : f32 to vector<16xf32>
        %mul3A_451 = arith.mulf %get3A_448, %mul3A_450 : vector<16xf32>
        %get3A_452 = arith.index_cast %add3A_421 : i32 to index
        %get3A_453 = arith.constant 16 : index
        %get3A_454 = tpu.vector_load %arg8[%get3A_452, %get3A_453] {strides = array<i32>} : memref<200x64xf32, #tpu.memory_space<vmem>>, vector<1x16xf32>,
        %get3A_455 = vector.shape_cast %get3A_454 : vector<1x16xf32> to vector<16xf32>
        %add3A_456 = arith.addf %mul3A_451, %get3A_455 : vector<16xf32>
        %swap3A_457 = arith.constant 3 : i32
        %swap3A_458 = arith.index_cast %swap3A_457 : i32 to index
        %swap3A_459 = arith.index_cast %add3A_421 : i32 to index
        %swap3A_460 = arith.constant 16 : index
        %swap3A_461 = tpu.vector_load %arg7[%swap3A_458, %swap3A_459, %swap3A_460] {strides = array<i32>} : memref<4x200x64xf32, #tpu.memory_space<vmem>>, vector<1x1x16xf32>,
        %swap3A_462 = vector.shape_cast %swap3A_461 : vector<1x1x16xf32> to vector<16xf32>
        %swap3A_463 = vector.shape_cast %add3A_456 : vector<16xf32> to vector<1x1x16xf32>
        tpu.vector_store %arg7[%swap3A_458, %swap3A_459, %swap3A_460], %swap3A_463 {strides = array<i32>} : memref<4x200x64xf32, #tpu.memory_space<vmem>>, vector<1x1x16xf32>,
        %get3A_464 = arith.constant 3 : i32
        %get3A_465 = arith.index_cast %get3A_464 : i32 to index
        %get3A_466 = arith.index_cast %add3A_421 : i32 to index
        %get3A_467 = arith.constant 32 : index
        %get3A_468 = tpu.vector_load %arg7[%get3A_465, %get3A_466, %get3A_467] {strides = array<i32>} : memref<4x200x64xf32, #tpu.memory_space<vmem>>, vector<1x1x16xf32>,
        %get3A_469 = vector.shape_cast %get3A_468 : vector<1x1x16xf32> to vector<16xf32>
        %mul3A_470 = arith.constant 8.000000e+00 : f32
        %mul3A_471 = vector.broadcast %mul3A_470 : f32 to vector<16xf32>
        %mul3A_472 = arith.mulf %get3A_469, %mul3A_471 : vector<16xf32>
        %get3A_473 = arith.index_cast %add3A_421 : i32 to index
        %get3A_474 = arith.constant 32 : index
        %get3A_475 = tpu.vector_load %arg8[%get3A_473, %get3A_474] {strides = array<i32>} : memref<200x64xf32, #tpu.memory_space<vmem>>, vector<1x16xf32>,
        %get3A_476 = vector.shape_cast %get3A_475 : vector<1x16xf32> to vector<16xf32>
        %add3A_477 = arith.addf %mul3A_472, %get3A_476 : vector<16xf32>
        %swap3A_478 = arith.constant 3 : i32
        %swap3A_479 = arith.index_cast %swap3A_478 : i32 to index
        %swap3A_480 = arith.index_cast %add3A_421 : i32 to index
        %swap3A_481 = arith.constant 32 : index
        %swap3A_482 = tpu.vector_load %arg7[%swap3A_479, %swap3A_480, %swap3A_481] {strides = array<i32>} : memref<4x200x64xf32, #tpu.memory_space<vmem>>, vector<1x1x16xf32>,
        %swap3A_483 = vector.shape_cast %swap3A_482 : vector<1x1x16xf32> to vector<16xf32>
        %swap3A_484 = vector.shape_cast %add3A_477 : vector<16xf32> to vector<1x1x16xf32>
        tpu.vector_store %arg7[%swap3A_479, %swap3A_480, %swap3A_481], %swap3A_484 {strides = array<i32>} : memref<4x200x64xf32, #tpu.memory_space<vmem>>, vector<1x1x16xf32>,
        %get3A_485 = arith.constant 3 : i32
        %get3A_486 = arith.index_cast %get3A_485 : i32 to index
        %get3A_487 = arith.index_cast %add3A_421 : i32 to index
        %get3A_488 = arith.constant 48 : index
        %get3A_489 = tpu.vector_load %arg7[%get3A_486, %get3A_487, %get3A_488] {strides = array<i32>} : memref<4x200x64xf32, #tpu.memory_space<vmem>>, vector<1x1x16xf32>,
        %get3A_490 = vector.shape_cast %get3A_489 : vector<1x1x16xf32> to vector<16xf32>
        %mul3A_491 = arith.constant 8.000000e+00 : f32
        %mul3A_492 = vector.broadcast %mul3A_491 : f32 to vector<16xf32>
        %mul3A_493 = arith.mulf %get3A_490, %mul3A_492 : vector<16xf32>
        %get3A_494 = arith.index_cast %add3A_421 : i32 to index
        %get3A_495 = arith.constant 48 : index
        %get3A_496 = tpu.vector_load %arg8[%get3A_494, %get3A_495] {strides = array<i32>} : memref<200x64xf32, #tpu.memory_space<vmem>>, vector<1x16xf32>,
        %get3A_497 = vector.shape_cast %get3A_496 : vector<1x16xf32> to vector<16xf32>
        %add3A_498 = arith.addf %mul3A_493, %get3A_497 : vector<16xf32>
        %swap3A_499 = arith.constant 3 : i32
        %swap3A_500 = arith.index_cast %swap3A_499 : i32 to index
        %swap3A_501 = arith.index_cast %add3A_421 : i32 to index
        %swap3A_502 = arith.constant 48 : index
        %swap3A_503 = tpu.vector_load %arg7[%swap3A_500, %swap3A_501, %swap3A_502] {strides = array<i32>} : memref<4x200x64xf32, #tpu.memory_space<vmem>>, vector<1x1x16xf32>,
        %swap3A_504 = vector.shape_cast %swap3A_503 : vector<1x1x16xf32> to vector<16xf32>
        %swap3A_505 = vector.shape_cast %add3A_498 : vector<16xf32> to vector<1x1x16xf32>
        tpu.vector_store %arg7[%swap3A_500, %swap3A_501, %swap3A_502], %swap3A_505 {strides = array<i32>} : memref<4x200x64xf32, #tpu.memory_space<vmem>>, vector<1x1x16xf32>,
      }
      %scan3A_303 = arith.constant 100 : i32
      %add3A_304 = arith.addi %mul3A_2, %add3A_279 : i32
      %dma_start3A_305 = arith.constant 3 : i32
      %dma_start3A_306 = arith.constant 0 : i32
      %dma_start3A_307 = arith.constant 0 : i32
      %dma_start3A_308 = tpu.memref_slice %arg7[%dma_start3A_305, %dma_start3A_306, %dma_start3A_307] : memref<4x200x64xf32, #tpu.memory_space<vmem>> -> memref<1x200x64xf32, #tpu.memory_space<vmem>>
      %dma_start3A_309 = tpu.memref_squeeze %dma_start3A_308 : memref<1x200x64xf32, #tpu.memory_space<vmem>> -> memref<200x64xf32, #tpu.memory_space<vmem>>
      %dma_start3A_310 = arith.constant 0 : i32
      %dma_start3A_311 = arith.constant 0 : i32
      %dma_start3A_312 = tpu.memref_slice %arg5[%add3A_304, %dma_start3A_310, %dma_start3A_311] : memref<1024x200x64xf32, #tpu.memory_space<hbm>> -> memref<1x200x64xf32, #tpu.memory_space<hbm>>
      %dma_start3A_313 = tpu.memref_squeeze %dma_start3A_312 : memref<1x200x64xf32, #tpu.memory_space<hbm>> -> memref<200x64xf32, #tpu.memory_space<hbm>>
      %dma_start3A_314 = arith.constant 0 : i32
      %dma_start3A_315 = arith.constant 0 : i32
      %dma_start3A_316 = tpu.memref_slice %arg5[%add3A_304, %dma_start3A_314, %dma_start3A_315] : memref<1024x200x64xf32, #tpu.memory_space<hbm>> -> memref<1x200x64xf32, #tpu.memory_space<hbm>>
      %dma_start3A_317 = tpu.memref_squeeze %dma_start3A_316 : memref<1x200x64xf32, #tpu.memory_space<hbm>> -> memref<200x64xf32, #tpu.memory_space<hbm>>
      %dma_start3A_318 = arith.constant 0 : i32
      %dma_start3A_319 = arith.constant 0 : i32
      %dma_start3A_320 = tpu.memref_slice %arg7[%dma_start3A_305, %dma_start3A_318, %dma_start3A_319] : memref<4x200x64xf32, #tpu.memory_space<vmem>> -> memref<1x200x64xf32, #tpu.memory_space<vmem>>
      %dma_start3A_321 = tpu.memref_squeeze %dma_start3A_320 : memref<1x200x64xf32, #tpu.memory_space<vmem>> -> memref<200x64xf32, #tpu.memory_space<vmem>>
      tpu.enqueue_dma source(%dma_start3A_321 : memref<200x64xf32, #tpu.memory_space<vmem>>) target(%dma_start3A_317 : memref<200x64xf32, #tpu.memory_space<hbm>>) target_semaphore(%arg10 : memref<!tpu.dma_semaphore, #tpu.memory_space<semaphore_mem>>)
      %add3A_322 = arith.constant 4 : i32
      %add3A_323 = arith.addi %add3A_279, %add3A_322 : i32
      %sub3A_324 = arith.constant 1 : i32
      %sub3A_325 = arith.subi %add3A_323, %sub3A_324 : i32
      %lt3A_326 = arith.constant 32 : i32
      %lt3A_327 = arith.cmpi slt, %sub3A_325, %lt3A_326 : i32
      %convert_element_type3A_328 = arith.extui %lt3A_327 : i1 to i32
      %cond3A_329 = arith.constant 0 : i32
      %cond3A_330 = arith.cmpi ne, %convert_element_type3A_328, %cond3A_329 : i32
      scf.if %cond3A_330 {
        %ge3A = arith.constant 1 : i32
        %ge3A_331 = arith.cmpi sge, %add3A_279, %ge3A : i32
        %convert_element_type3A_332 = arith.extui %ge3A_331 : i1 to i32
        %cond3A_333 = arith.constant 0 : i32
        %cond3A_334 = arith.cmpi ne, %convert_element_type3A_332, %cond3A_333 : i32
        scf.if %cond3A_334 {
          %dma_wait3A_346 = arith.constant 0 : i32
          %dma_wait3A_347 = arith.constant 2 : i32
          %dma_wait3A_348 = arith.constant 0 : i32
          %dma_wait3A_349 = arith.constant 0 : i32
          %dma_wait3A_350 = tpu.memref_slice %arg7[%dma_wait3A_347, %dma_wait3A_348, %dma_wait3A_349] : memref<4x200x64xf32, #tpu.memory_space<vmem>> -> memref<1x200x64xf32, #tpu.memory_space<vmem>>
          %dma_wait3A_351 = tpu.memref_squeeze %dma_wait3A_350 : memref<1x200x64xf32, #tpu.memory_space<vmem>> -> memref<200x64xf32, #tpu.memory_space<vmem>>
          %dma_wait3A_352 = arith.constant 0 : i32
          %dma_wait3A_353 = arith.constant 0 : i32
          %dma_wait3A_354 = tpu.memref_slice %arg5[%dma_wait3A_346, %dma_wait3A_352, %dma_wait3A_353] : memref<1024x200x64xf32, #tpu.memory_space<hbm>> -> memref<1x200x64xf32, #tpu.memory_space<hbm>>
          %dma_wait3A_355 = tpu.memref_squeeze %dma_wait3A_354 : memref<1x200x64xf32, #tpu.memory_space<hbm>> -> memref<200x64xf32, #tpu.memory_space<hbm>>
          %dma_wait3A_356 = arith.constant 0 : i32
          %dma_wait3A_357 = arith.constant 0 : i32
          %dma_wait3A_358 = tpu.memref_slice %arg7[%dma_wait3A_347, %dma_wait3A_356, %dma_wait3A_357] : memref<4x200x64xf32, #tpu.memory_space<vmem>> -> memref<1x200x64xf32, #tpu.memory_space<vmem>>
          %dma_wait3A_359 = tpu.memref_squeeze %dma_wait3A_358 : memref<1x200x64xf32, #tpu.memory_space<vmem>> -> memref<200x64xf32, #tpu.memory_space<vmem>>
          %dma_wait3A_360 = arith.constant 0 : i32
          %dma_wait3A_361 = arith.constant 0 : i32
          %dma_wait3A_362 = tpu.memref_slice %arg5[%dma_wait3A_346, %dma_wait3A_360, %dma_wait3A_361] : memref<1024x200x64xf32, #tpu.memory_space<hbm>> -> memref<1x200x64xf32, #tpu.memory_space<hbm>>
          %dma_wait3A_363 = tpu.memref_squeeze %dma_wait3A_362 : memref<1x200x64xf32, #tpu.memory_space<hbm>> -> memref<200x64xf32, #tpu.memory_space<hbm>>
          tpu.wait_dma2 semaphore(%arg10 : memref<!tpu.dma_semaphore, #tpu.memory_space<semaphore_mem>>) src(%dma_wait3A_363 : memref<200x64xf32, #tpu.memory_space<hbm>>) dst(%dma_wait3A_359 : memref<200x64xf32, #tpu.memory_space<vmem>>)
        } else {
        }
        %dma_start3A_335 = arith.constant 2 : i32
        %dma_start3A_336 = arith.constant 0 : i32
        %dma_start3A_337 = arith.constant 0 : i32
        %dma_start3A_338 = tpu.memref_slice %arg7[%dma_start3A_335, %dma_start3A_336, %dma_start3A_337] : memref<4x200x64xf32, #tpu.memory_space<vmem>> -> memref<1x200x64xf32, #tpu.memory_space<vmem>>
        %dma_start3A_339 = tpu.memref_squeeze %dma_start3A_338 : memref<1x200x64xf32, #tpu.memory_space<vmem>> -> memref<200x64xf32, #tpu.memory_space<vmem>>
        %dma_start3A_340 = arith.constant 0 : i32
        %dma_start3A_341 = tpu.memref_slice %arg6[%sub3A_325, %dma_start3A_340] : memref<32x200xi32, #tpu.memory_space<vmem>> -> memref<1x200xi32, #tpu.memory_space<vmem>>
        %dma_start3A_342 = tpu.memref_squeeze %dma_start3A_341 : memref<1x200xi32, #tpu.memory_space<vmem>> -> memref<200xi32, #tpu.memory_space<vmem>>
        %dma_start3A_343 = arith.constant 0 : i32
        %dma_start3A_344 = arith.constant 0 : i32
        %dma_start3A_345 = tpu.memref_slice %arg3[%dma_start3A_343, %dma_start3A_344] : memref<1000000x64xf32, #tpu.memory_space<hbm>> -> memref<1000000x64xf32, #tpu.memory_space<hbm>>
        tpu.enqueue_indirect_dma source(%dma_start3A_345 : memref<1000000x64xf32, #tpu.memory_space<hbm>>) target(%dma_start3A_339 : memref<200x64xf32, #tpu.memory_space<vmem>>) offsets(%dma_start3A_342 : memref<200xi32, #tpu.memory_space<vmem>>) semaphore(%arg9 : memref<!tpu.dma_semaphore, #tpu.memory_space<semaphore_mem>>)
      } else {
      }
    }
    %scan3A_42 = arith.constant 8 : i32
    %dma_wait3A = arith.constant 0 : i32
    %dma_wait3A_43 = arith.constant 0 : i32
    %dma_wait3A_44 = arith.constant 0 : i32
    %dma_wait3A_45 = arith.constant 0 : i32
    %dma_wait3A_46 = tpu.memref_slice %arg7[%dma_wait3A_43, %dma_wait3A_44, %dma_wait3A_45] : memref<4x200x64xf32, #tpu.memory_space<vmem>> -> memref<1x200x64xf32, #tpu.memory_space<vmem>>
    %dma_wait3A_47 = tpu.memref_squeeze %dma_wait3A_46 : memref<1x200x64xf32, #tpu.memory_space<vmem>> -> memref<200x64xf32, #tpu.memory_space<vmem>>
    %dma_wait3A_48 = arith.constant 0 : i32
    %dma_wait3A_49 = arith.constant 0 : i32
    %dma_wait3A_50 = tpu.memref_slice %arg5[%dma_wait3A, %dma_wait3A_48, %dma_wait3A_49] : memref<1024x200x64xf32, #tpu.memory_space<hbm>> -> memref<1x200x64xf32, #tpu.memory_space<hbm>>
    %dma_wait3A_51 = tpu.memref_squeeze %dma_wait3A_50 : memref<1x200x64xf32, #tpu.memory_space<hbm>> -> memref<200x64xf32, #tpu.memory_space<hbm>>
    %dma_wait3A_52 = arith.constant 0 : i32
    %dma_wait3A_53 = arith.constant 0 : i32
    %dma_wait3A_54 = tpu.memref_slice %arg7[%dma_wait3A_43, %dma_wait3A_52, %dma_wait3A_53] : memref<4x200x64xf32, #tpu.memory_space<vmem>> -> memref<1x200x64xf32, #tpu.memory_space<vmem>>
    %dma_wait3A_55 = tpu.memref_squeeze %dma_wait3A_54 : memref<1x200x64xf32, #tpu.memory_space<vmem>> -> memref<200x64xf32, #tpu.memory_space<vmem>>
    %dma_wait3A_56 = arith.constant 0 : i32
    %dma_wait3A_57 = arith.constant 0 : i32
    %dma_wait3A_58 = tpu.memref_slice %arg5[%dma_wait3A, %dma_wait3A_56, %dma_wait3A_57] : memref<1024x200x64xf32, #tpu.memory_space<hbm>> -> memref<1x200x64xf32, #tpu.memory_space<hbm>>
    %dma_wait3A_59 = tpu.memref_squeeze %dma_wait3A_58 : memref<1x200x64xf32, #tpu.memory_space<hbm>> -> memref<200x64xf32, #tpu.memory_space<hbm>>
    tpu.wait_dma2 semaphore(%arg10 : memref<!tpu.dma_semaphore, #tpu.memory_space<semaphore_mem>>) src(%dma_wait3A_59 : memref<200x64xf32, #tpu.memory_space<hbm>>) dst(%dma_wait3A_55 : memref<200x64xf32, #tpu.memory_space<vmem>>)
    %dma_wait3A_60 = arith.constant 0 : i32
    %dma_wait3A_61 = arith.constant 1 : i32
    %dma_wait3A_62 = arith.constant 0 : i32
    %dma_wait3A_63 = arith.constant 0 : i32
    %dma_wait3A_64 = tpu.memref_slice %arg7[%dma_wait3A_61, %dma_wait3A_62, %dma_wait3A_63] : memref<4x200x64xf32, #tpu.memory_space<vmem>> -> memref<1x200x64xf32, #tpu.memory_space<vmem>>
    %dma_wait3A_65 = tpu.memref_squeeze %dma_wait3A_64 : memref<1x200x64xf32, #tpu.memory_space<vmem>> -> memref<200x64xf32, #tpu.memory_space<vmem>>
    %dma_wait3A_66 = arith.constant 0 : i32
    %dma_wait3A_67 = arith.constant 0 : i32
    %dma_wait3A_68 = tpu.memref_slice %arg5[%dma_wait3A_60, %dma_wait3A_66, %dma_wait3A_67] : memref<1024x200x64xf32, #tpu.memory_space<hbm>> -> memref<1x200x64xf32, #tpu.memory_space<hbm>>
    %dma_wait3A_69 = tpu.memref_squeeze %dma_wait3A_68 : memref<1x200x64xf32, #tpu.memory_space<hbm>> -> memref<200x64xf32, #tpu.memory_space<hbm>>
    %dma_wait3A_70 = arith.constant 0 : i32
    %dma_wait3A_71 = arith.constant 0 : i32
    %dma_wait3A_72 = tpu.memref_slice %arg7[%dma_wait3A_61, %dma_wait3A_70, %dma_wait3A_71] : memref<4x200x64xf32, #tpu.memory_space<vmem>> -> memref<1x200x64xf32, #tpu.memory_space<vmem>>
    %dma_wait3A_73 = tpu.memref_squeeze %dma_wait3A_72 : memref<1x200x64xf32, #tpu.memory_space<vmem>> -> memref<200x64xf32, #tpu.memory_space<vmem>>
    %dma_wait3A_74 = arith.constant 0 : i32
    %dma_wait3A_75 = arith.constant 0 : i32
    %dma_wait3A_76 = tpu.memref_slice %arg5[%dma_wait3A_60, %dma_wait3A_74, %dma_wait3A_75] : memref<1024x200x64xf32, #tpu.memory_space<hbm>> -> memref<1x200x64xf32, #tpu.memory_space<hbm>>
    %dma_wait3A_77 = tpu.memref_squeeze %dma_wait3A_76 : memref<1x200x64xf32, #tpu.memory_space<hbm>> -> memref<200x64xf32, #tpu.memory_space<hbm>>
    tpu.wait_dma2 semaphore(%arg10 : memref<!tpu.dma_semaphore, #tpu.memory_space<semaphore_mem>>) src(%dma_wait3A_77 : memref<200x64xf32, #tpu.memory_space<hbm>>) dst(%dma_wait3A_73 : memref<200x64xf32, #tpu.memory_space<vmem>>)
    %dma_wait3A_78 = arith.constant 0 : i32
    %dma_wait3A_79 = arith.constant 2 : i32
    %dma_wait3A_80 = arith.constant 0 : i32
    %dma_wait3A_81 = arith.constant 0 : i32
    %dma_wait3A_82 = tpu.memref_slice %arg7[%dma_wait3A_79, %dma_wait3A_80, %dma_wait3A_81] : memref<4x200x64xf32, #tpu.memory_space<vmem>> -> memref<1x200x64xf32, #tpu.memory_space<vmem>>
    %dma_wait3A_83 = tpu.memref_squeeze %dma_wait3A_82 : memref<1x200x64xf32, #tpu.memory_space<vmem>> -> memref<200x64xf32, #tpu.memory_space<vmem>>
    %dma_wait3A_84 = arith.constant 0 : i32
    %dma_wait3A_85 = arith.constant 0 : i32
    %dma_wait3A_86 = tpu.memref_slice %arg5[%dma_wait3A_78, %dma_wait3A_84, %dma_wait3A_85] : memref<1024x200x64xf32, #tpu.memory_space<hbm>> -> memref<1x200x64xf32, #tpu.memory_space<hbm>>
    %dma_wait3A_87 = tpu.memref_squeeze %dma_wait3A_86 : memref<1x200x64xf32, #tpu.memory_space<hbm>> -> memref<200x64xf32, #tpu.memory_space<hbm>>
    %dma_wait3A_88 = arith.constant 0 : i32
    %dma_wait3A_89 = arith.constant 0 : i32
    %dma_wait3A_90 = tpu.memref_slice %arg7[%dma_wait3A_79, %dma_wait3A_88, %dma_wait3A_89] : memref<4x200x64xf32, #tpu.memory_space<vmem>> -> memref<1x200x64xf32, #tpu.memory_space<vmem>>
    %dma_wait3A_91 = tpu.memref_squeeze %dma_wait3A_90 : memref<1x200x64xf32, #tpu.memory_space<vmem>> -> memref<200x64xf32, #tpu.memory_space<vmem>>
    %dma_wait3A_92 = arith.constant 0 : i32
    %dma_wait3A_93 = arith.constant 0 : i32
    %dma_wait3A_94 = tpu.memref_slice %arg5[%dma_wait3A_78, %dma_wait3A_92, %dma_wait3A_93] : memref<1024x200x64xf32, #tpu.memory_space<hbm>> -> memref<1x200x64xf32, #tpu.memory_space<hbm>>
    %dma_wait3A_95 = tpu.memref_squeeze %dma_wait3A_94 : memref<1x200x64xf32, #tpu.memory_space<hbm>> -> memref<200x64xf32, #tpu.memory_space<hbm>>
    tpu.wait_dma2 semaphore(%arg10 : memref<!tpu.dma_semaphore, #tpu.memory_space<semaphore_mem>>) src(%dma_wait3A_95 : memref<200x64xf32, #tpu.memory_space<hbm>>) dst(%dma_wait3A_91 : memref<200x64xf32, #tpu.memory_space<vmem>>)
    %dma_wait3A_96 = arith.constant 0 : i32
    %dma_wait3A_97 = arith.constant 3 : i32
    %dma_wait3A_98 = arith.constant 0 : i32
    %dma_wait3A_99 = arith.constant 0 : i32
    %dma_wait3A_100 = tpu.memref_slice %arg7[%dma_wait3A_97, %dma_wait3A_98, %dma_wait3A_99] : memref<4x200x64xf32, #tpu.memory_space<vmem>> -> memref<1x200x64xf32, #tpu.memory_space<vmem>>
    %dma_wait3A_101 = tpu.memref_squeeze %dma_wait3A_100 : memref<1x200x64xf32, #tpu.memory_space<vmem>> -> memref<200x64xf32, #tpu.memory_space<vmem>>
    %dma_wait3A_102 = arith.constant 0 : i32
    %dma_wait3A_103 = arith.constant 0 : i32
    %dma_wait3A_104 = tpu.memref_slice %arg5[%dma_wait3A_96, %dma_wait3A_102, %dma_wait3A_103] : memref<1024x200x64xf32, #tpu.memory_space<hbm>> -> memref<1x200x64xf32, #tpu.memory_space<hbm>>
    %dma_wait3A_105 = tpu.memref_squeeze %dma_wait3A_104 : memref<1x200x64xf32, #tpu.memory_space<hbm>> -> memref<200x64xf32, #tpu.memory_space<hbm>>
    %dma_wait3A_106 = arith.constant 0 : i32
    %dma_wait3A_107 = arith.constant 0 : i32
    %dma_wait3A_108 = tpu.memref_slice %arg7[%dma_wait3A_97, %dma_wait3A_106, %dma_wait3A_107] : memref<4x200x64xf32, #tpu.memory_space<vmem>> -> memref<1x200x64xf32, #tpu.memory_space<vmem>>
    %dma_wait3A_109 = tpu.memref_squeeze %dma_wait3A_108 : memref<1x200x64xf32, #tpu.memory_space<vmem>> -> memref<200x64xf32, #tpu.memory_space<vmem>>
    %dma_wait3A_110 = arith.constant 0 : i32
    %dma_wait3A_111 = arith.constant 0 : i32
    %dma_wait3A_112 = tpu.memref_slice %arg5[%dma_wait3A_96, %dma_wait3A_110, %dma_wait3A_111] : memref<1024x200x64xf32, #tpu.memory_space<hbm>> -> memref<1x200x64xf32, #tpu.memory_space<hbm>>
    %dma_wait3A_113 = tpu.memref_squeeze %dma_wait3A_112 : memref<1x200x64xf32, #tpu.memory_space<hbm>> -> memref<200x64xf32, #tpu.memory_space<hbm>>
    tpu.wait_dma2 semaphore(%arg10 : memref<!tpu.dma_semaphore, #tpu.memory_space<semaphore_mem>>) src(%dma_wait3A_113 : memref<200x64xf32, #tpu.memory_space<hbm>>) dst(%dma_wait3A_109 : memref<200x64xf32, #tpu.memory_space<vmem>>)
    return
  }
}

</mosaic_0001>

<sc_bundles>
// kernel: kernel.3.cloned.1.call-start
scs
__scs_entry_jumppad:
0x0: {  	(pc) =	sbr.rel $0x88, $3  }
0x1: {  	(tag) =	ssettag $0x0;
	lr =	simm.s32 $0x1  }
0x2: {  	[smem:$0x3F9E] =	sst lr;
	_ =	strace $0xD0000000  }
0x3: {  	_ = 	snop  }
0x4: {  	_ = 	snop  }
0x5: {  	_ = 	snop  }
0x6: {  	_ = 	snop  }
0x7: {  	_ = 	snop  }
__scs_overlays_trampoline_lowered:
0x8: {  	[smem:$0x3FAD] =	sst s0  }
0x9: {  	[smem:$0x3FAE] =	sst s1  }
0xa: {  	[smem:$0x3FAF] =	sst s2  }
0xb: {  	[smem:$0x3FB0] =	sst s3  }
0xc: {  	[smem:$0x3FB1] =	sst s4  }
0xd: {  	[smem:$0x3FB2] =	sst s5  }
0xe: {  	[smem:$0x3FB3] =	sst s6  }
0xf: {  	[smem:$0x3FB4] =	sst s7  }
0x10: {  	[smem:$0x3FB5] =	sst s8  }
0x11: {  	[smem:$0x3FB6] =	sst s9;
	s0 =	simm.s32 @!p0 $0x0  }
0x12: {  	s1 =	sld [smem:$0x3F9C];
	s0 =	simm.s32 @p0 $0x1  }
0x13: {  	[smem:$0x3FB7] =	sst s0;
	s0 =	simm.s32 @!p1 $0x0  }
0x14: {  	s2 =	sld [smem:$0x3F9B];
	s0 =	simm.s32 @p1 $0x1  }
0x15: {  	[smem:$0x3FB8] =	sst s0;
	s0 =	simm.s32 @!p2 $0x0  }
0x16: {  	s3 =	sld [smem:$0x3FDB];
	s0 =	simm.s32 @p2 $0x1  }
0x17: {  	s4 =	simm.s32 $0x1BF5;
	[smem:$0x3FBA] =	sst s0  }
0x18: {  	s0 =	sld [smem:$0x3F9D];
	_ =	swait.ge [sflag:s4], $0x0  }
0x19: {  	s7 =	sld [smem:$0x3F9E]  }
0x1a: {  	s8 =	sadd.s32 $0xFFFFE003, lr  }
0x1b: {  	s9 =	sadd.s32 $0xFFFFFEF7, lr;
	s5 =	simm.s32 $0xFFFFFFFF;
	p2 =	slt.u32 s8, $0xFFFFF086  }
0x1c: {  	p1 =	slt.u32 s9, $0xF7A;
	s5 =	simm.s32 @!p2 $0x0  }
0x1d: {  	s5 =	simm.s32 @p1 $0x1;
	p0 =	seq.s32 s7, s2  }
0x1e: {  	s7 =	smul.u32 @!p0 $0xF7A, s2;
	p2 =	seq.s32 @!p0 s5, $0x0  }
0x1f: {  	s9 =	smul.u32 $0xF7A, s1;
	s8 =	simm.s32 @!p0 $0x1BF5;
	p2 =	por !p2, p0  }
0x20: {  	[sflag:s8] =	ssyncset.s32 @!p0 $0xFFFFF086;
	s6 =	sadd.s32 @!p0 s3, s7;
	s7 =	simm.s32 @!p0 $0x108  }
0x21: {  	s3 =	sadd.s32 s3, s9;
	s6 =	sadd.s32 @!p0 $0x88, s6;
	s7 =	simm.s32 @p2 $0x1082  }
0x22: {  	[simem:s7], [sflag:s8] =	dma.local @!p0 [hbm:s6], $0xF7A  }
0x23: {  	s9 =	sor.u32 $0xD0000000, s2;
	s6 =	simm.s32 $0x108;
	_ =	swait.ge @!p0 [sflag:s8], $0x0  }
0x24: {  	s3 =	sadd.s32 $0x88, s3;
	s6 =	simm.s32 @!p1 $0x1082;
	[sflag:s4] =	ssyncset.s32 $0xFFFFF086  }
0x25: {  	[simem:s6], [sflag:s4] =	dma.local [hbm:s3], $0xF7A  }
0x26: {  	[smem:$0x3F9E] =	sst s1;
	(tag) =	ssettag s2;
	_ =	strace s9  }
0x27: {  	s1 =	sld [smem:$0x3FAE]  }
0x28: {  	s2 =	sld [smem:$0x3FAF]  }
0x29: {  	s4 =	sld [smem:$0x3FB1]  }
0x2a: {  	p0 =	seq.s32 s5, $0x0;
	s5 =	sld [smem:$0x3FB2]  }
0x2b: {  	s6 =	sld [smem:$0x3FB3]  }
0x2c: {  	s7 =	sld [smem:$0x3FB4]  }
0x2d: {  	s3 =	simm.s32 $0x108;
	s8 =	sld [smem:$0x3FB5]  }
0x2e: {  	s3 =	simm.s32 @!p0 $0x1082;
	s9 =	sld [smem:$0x3FB6]  }
0x2f: {  	lr =	sadd.s32 s0, s3;
	s0 =	sld [smem:$0x3FAD]  }
0x30: {  	s3 =	sld [smem:$0x3FB0]  }
0x31: {  	[smem:$0x3FB9] =	sst s10  }
0x32: {  	s10 =	sld [smem:$0x3FB7];
	_ =	sdelay $0x3  }
0x33: {  	p0 =	seq.s32 s10, $0x1;
	s10 =	sld [smem:$0x3FB9];
	_ =	sdelay $0x3  }
0x34: {  	[smem:$0x3FB9] =	sst s10  }
0x35: {  	s10 =	sld [smem:$0x3FB8];
	_ =	sdelay $0x3  }
0x36: {  	p1 =	seq.s32 s10, $0x1;
	s10 =	sld [smem:$0x3FB9];
	_ =	sdelay $0x3  }
0x37: {  	[smem:$0x3FB9] =	sst s10  }
0x38: {  	s10 =	sld [smem:$0x3FBA]  }
0x39: {  	_ = 	snop;
	(pc) =	sbr.ind lr, $3  }
0x3a: {  	_ = 	snop  }
0x3b: {  	_ = 	snop  }
0x3c: {  	p2 =	seq.s32 s10, $0x1;
	s10 =	sld [smem:$0x3FB9]  }
0x3d: {  	_ =	shalt  }
0x3e: {  	_ =	shalt  }
0x3f: {  	_ =	shalt  }
0x40: {  	_ =	shalt  }
0x41: {  	_ =	shalt  }
0x42: {  	_ =	shalt  }
0x43: {  	_ =	shalt  }
0x44: {  	_ =	shalt  }
0x45: {  	_ =	shalt  }
0x46: {  	_ =	shalt  }
0x47: {  	_ =	shalt  }
0x48: {  	_ =	shalt  }
0x49: {  	_ =	shalt  }
0x4a: {  	_ =	shalt  }
0x4b: {  	_ =	shalt  }
0x4c: {  	_ =	shalt  }
0x4d: {  	_ =	shalt  }
0x4e: {  	_ =	shalt  }
0x4f: {  	_ =	shalt  }
0x50: {  	_ =	shalt  }
0x51: {  	_ =	shalt  }
0x52: {  	_ =	shalt  }
0x53: {  	_ =	shalt  }
0x54: {  	_ =	shalt  }
0x55: {  	_ =	shalt  }
0x56: {  	_ =	shalt  }
0x57: {  	_ =	shalt  }
0x58: {  	_ =	shalt  }
0x59: {  	_ =	shalt  }
0x5a: {  	_ =	shalt  }
0x5b: {  	_ =	shalt  }
0x5c: {  	_ =	shalt  }
0x5d: {  	_ =	shalt  }
0x5e: {  	_ =	shalt  }
0x5f: {  	_ =	shalt  }
0x60: {  	_ =	shalt  }
0x61: {  	_ =	shalt  }
0x62: {  	_ =	shalt  }
0x63: {  	_ =	shalt  }
0x64: {  	_ =	shalt  }
0x65: {  	_ =	shalt  }
0x66: {  	_ =	shalt  }
0x67: {  	_ =	shalt  }
0x68: {  	_ =	shalt  }
0x69: {  	_ =	shalt  }
0x6a: {  	_ =	shalt  }
0x6b: {  	_ =	shalt  }
0x6c: {  	_ =	shalt  }
0x6d: {  	_ =	shalt  }
0x6e: {  	_ =	shalt  }
0x6f: {  	_ =	shalt  }
0x70: {  	_ =	shalt  }
0x71: {  	_ =	shalt  }
0x72: {  	_ =	shalt  }
0x73: {  	_ =	shalt  }
0x74: {  	_ =	shalt  }
0x75: {  	_ =	shalt  }
0x76: {  	_ =	shalt  }
0x77: {  	_ =	shalt  }
0x78: {  	_ =	shalt  }
0x79: {  	_ =	shalt  }
0x7a: {  	_ =	shalt  }
0x7b: {  	_ =	shalt  }
0x7c: {  	_ =	shalt  }
0x7d: {  	_ =	shalt  }
0x7e: {  	_ =	shalt  }
0x7f: {  	_ =	shalt  }
0x80: {  	_ =	shalt  }
0x81: {  	_ =	shalt  }
0x82: {  	_ =	shalt  }
0x83: {  	_ =	shalt  }
0x84: {  	_ =	shalt  }
0x85: {  	_ =	shalt  }
0x86: {  	_ =	shalt  }
0x87: {  	_ =	shalt  }
.Lfunc_end0:
.L_simem_size_0:
called_computation.1_lowered:
.L_overlay_start_0:
0x88: {  	s2 =	sld [smem:$0x3FD9]  }
0x89: {  	s3 =	sld [smem:$0x3FFE];
	_ =	sdelay $0x1  }
0x8a: {  	s1 =	srdreg.scid  }
0x8b: {  	s0 =	sand.u32 $0x1, s1  }
0x8c: {  	s17 =	sshll.u32 s0, $0xA;
	s2 =	sadd.s32 s3, s2  }
0x8d: {  	s2 =	sadd.s32 s2, s17  }
0x8e: {  	[smem:$0x3FC5] =	sst s2  }
0x8f: {  	_ = 	snop  }
0x90: {  	s2 =	sld [smem:$0x3FD0];
	(tm) =	ssettm $0x1  }
0x91: {  	s18 =	sld [smem:$0x3FFB];
	_ =	sdelay $0x3  }
0x92: {  	_ =	strace s18  }
0x93: {  	s3 =	sld [smem:$0x3FFC];
	_ =	sdelay $0x3  }
0x94: {  	_ =	strace s3  }
0x95: {  	s3 =	sld [smem:$0x3FFD];
	_ =	sdelay $0x3  }
0x96: {  	_ =	strace s3  }
0x97: {  	_ =	strace $0x8FFFFFFF  }
0x98: {  	s19 =	sld [smem:$0x3FDB];
	_ =	sdelay $0x1  }
0x99: {  	s4 =	simm.s32 $_scs_section_size  }
0x9a: {  	s5 =	simm.s32 $_size__tile_overlayer_lowered;
	s6 =	simm.s32 $_tile_overlayer_lowered  }
0x9b: {  	s22 =	simm.s32 $0x1BFF;
	s21 =	sshll.u32 s6, $0x1;
	s3 =	sadd.s32 s4, s19  }
0x9c: {  	s7 =	simm.s32 $0x0;
	s20 =	sshll.u32 s5, $0x1;
	s5 =	sadd.s32 s21, s3  }
0x9d: {  	[timem:s7], [sflag:s22] =	dma.local [hbm:s5], s20  }
0x9e: {  	_ =	swait.ge [sflag:s22], s20  }
0x9f: {  	s4 =	ssub.s32 $0x0, s20;
	[sflag:s22] =	ssyncset.done $0x0  }
0xa0: {  	[sflag:s22] =	ssyncadd.s32 s4;
	_ =	sdelay $0x1  }
0xa1: {  	s23 =	simm.s32 $0x1B8B  }
0xa2: {  	_ =	swait.ge [sflag:s23], $0x1  }
0xa3: {  	[sflag:s23] =	ssyncset.done $0x0  }
0xa4: {  	s25 =	simm.s32 $0x1B8E;
	s24 =	sld [smem:$0x3FFE];
	[sflag:s23] =	ssyncadd.s32 $0xFFFFFFFF  }
0xa5: {  	s26 =	simm.s32 $execute0_lowered;
	[smem:$0x3FD2] =	sst s25  }
0xa6: {  	s5 =	sshll.u32 s26, $0x1;
	_ =	strace $0x80000046;
	[dreg:$0x1] =	wrdreg $0xFFFFFFFF  }
0xa7: {  	s28 =	simm.s32 $_size_execute0_lowered;
	s3 =	sadd.s32 s3, s5;
	[dreg:$0x0] =	wrdreg $0x0  }
0xa8: {  	s5 =	sshll.u32 s28, $0x1;
	[dreg:$0x2] =	wrdreg s3  }
0xa9: {  	[dreg:$0x3] =	wrdreg s5  }
0xaa: {  	[dreg:$0x4] =	wrdreg $0xC0  }
0xab: {  	_ =	task [dreg:s7], $0x5FFFF  }
0xac: {  	[dreg:$0x1] =	wrdreg $0xFFFFFFFF  }
0xad: {  	[dreg:$0x0] =	wrdreg $0x60  }
0xae: {  	[dreg:$0x2] =	wrdreg s24  }
0xaf: {  	[dreg:$0x3] =	wrdreg s2  }
0xb0: {  	[dreg:$0x4] =	wrdreg $0x9  }
0xb1: {  	_ =	task.clear_ibuf [dreg:s7], $0x5FFFF;
	_ =	strace $0x90000046  }
0xb2: {  	s29 =	simm.s32 $0x9;
	_ =	strace $0x80000048  }
0xb3: {  	_ =	swait.ge [sflag:s29], $0x1  }
0xb4: {  	[sflag:s29] =	ssyncadd.s32 $0xFFFFFFFF  }
0xb5: {  	_ =	strace $0x90000048  }
0xb6: {  	_ =	sfence  }
0xb7: {  	s30 =	sld [smem:$0x0];
	_ =	sdelay $0x2  }
0xb8: {  	s31 =	sshll.u32 s1, $0xD;
	s1 =	sshrl.u32 s1, $0x2  }
0xb9: {  	s3 =	sand.u32 $0x4000, s31;
	s1 =	sadd.s32 s1, s30  }
0xba: {  	s0 =	sor.u32 s3, s0;
	s1 =	sshll.u32 s1, $0x11  }
0xbb: {  	s0 =	sor.u32 s1, s0  }
0xbc: {  	s0 =	sadd.s32 $0x8F2B, s0  }
0xbd: {  	[sflag:s0] =	ssyncadd.remote.s32 $0x1  }
0xbe: {  	_ =	sfence.sel $0xFFFF  }
0xbf: {  	[dreg:$0x0] =	wrdreg $0xFFFFFFFF;
	(pc) =	sbr.abs _section_cstart, $3  }
0xc0: {  	[dreg:$0x1] =	wrdreg $0xFFFFFFFF  }
0xc1: {  	_ =	task.clear_ibuf [dreg:s7], $0x2FFFF;
	_ =	strace $0x9FFFFFFF  }
0xc2: {  	(tm) =	ssettm $0x7FFFFFFF  }
0xc3: {  	_ =	shalt  }
tec
execute0_lowered:
.L_overlay_start_1:
0x0: {  	(tag) =	ssettag $0x1  }
0x1: {  	s1 =	srdreg.scid  }
0x2: {  	s6 =	rddreg [dreg:$0x0];
	s0 =	stileid.u32  }
0x3: {  	s2 =	rddreg [dreg:$0x1];
	s3 =	simm.s32 $0x0;
	s10 =	simm.s32 $0x3  }
0x4: {  	s11 =	simm.s32 $0xC8;
	s12 =	simm.s32 $0x1900;
	s13 =	simm.s32 $0x4B00  }
0x5: {  	s14 =	simm.s32 $0x190;
	s15 =	simm.s32 $0x7D00;
	s16 =	simm.s32 $0x1  }
0x6: {  	s17 =	simm.s32 $0xAF00;
	s18 =	simm.s32 $0x2;
	s5 =	sand.u32 $0x1, s1  }
0x7: {  	s19 =	simm.s32 $0x0;
	s4 =	sshll.u32 s0, $0x6;
	s7 =	sshll.u32 s5, $0x5  }
.Ltmp0:
0x8: {  	s1 =	rddreg [dreg:$0x2];
	s4 =	sor.u32 s7, s4;
	(pc) =	sbr.rel .LBB2_1-.Ltmp0, $4  }
0x9: {  	[smem:$0x7FF] =	sst s3;
	s8 =	ssub.s32 $0x2, s5;
	s7 =	smul.u32 $0x19, s4  }
0xa: {  	_ =	strace $0x80000047;
	s5 =	sadd.s32 $0xF43000, s6;
	s9 =	sshrl.u32 s8, $0x1  }
0xb: {  	s8 =	ssub.s32 s8, s9;
	s9 =	simm.s32 $0xE100;
	s7 =	sadd.s32 s7, s6  }
0xc: {  	s8 =	smax.u32 s8, $0x1;
	s6 =	sadd.s32 $0x7000, s6;
	s7 =	sadd.s32 $0xC00, s7  }
.LBB2_12:
0xd: {  	_ =	swait.ge [sflag:s18], $0x3200  }
0xe: {  	[sflag:s18] =	ssyncset.done $0x0  }
0xf: {  	s19 =	sadd.s32 $0x1, s19;
	[sflag:s18] =	ssyncadd.s32 $0xFFFFCE00  }
0x10: {  	p0 =	sne.s32 s19, s8;
	_ =	swait.ge [sflag:s18], $0x3200  }
.Ltmp1:
0x11: {  	[sflag:s18] =	ssyncset.done $0x0;
	(pc) =	sbr.rel @!p0 .LBB2_13-.Ltmp1, $4  }
0x12: {  	[sflag:s18] =	ssyncadd.s32 $0xFFFFCE00  }
0x13: {  	_ =	swait.ge [sflag:s18], $0x3200  }
0x14: {  	[sflag:s18] =	ssyncset.done $0x0  }
0x15: {  	[sflag:s18] =	ssyncadd.s32 $0xFFFFCE00  }
.LBB2_1:
0x16: {  	[tilespmem:s9], [sflag:$0x3] =	stream.linear.gather [hbm4b:s6+s3], $0x3200, $0x38;
	[tilespmem:$0x11300] =	vst v63  }
0x17: {  	_ =	swait.ge [sflag:s10], $0x3200  }
0x18: {  	[sflag:s10] =	ssyncset.done $0x0  }
0x19: {  	[sflag:s10] =	ssyncadd.s32 $0xFFFFCE00  }
0x1a: {  	[tilespmem:s3], [sflag:$0x3] =	stream.linear.gather [hbm4b:s7+s3], $0x1900, $0x38;
	[tilespmem:$0x11300] =	vst v63  }
0x1b: {  	_ =	swait.ge [sflag:s10], $0x1900  }
0x1c: {  	[sflag:s10] =	ssyncset.done $0x0  }
0x1d: {  	[sflag:s10] =	ssyncadd.s32 $0xFFFFE700  }
0x1e: {  	[tilespmem:s12], [sflag:$0x1] =	stream.indirect.gather [hbm4b:s5+s11], $0x40, s3, s11, $0xb8;
	[tilespmem:$0x11300] =	vst v63  }
0x1f: {  	_ = 	snop  }
0x20: {  	[tilespmem:s13], [sflag:$0x1] =	stream.indirect.gather [hbm4b:s5+s11], $0x40, s11, s11, $0xb8;
	[tilespmem:$0x11300] =	vst v63  }
0x21: {  	s20 =	simm.s32 $0x0  }
0x22: {  	[tilespmem:s15], [sflag:$0x1] =	stream.indirect.gather [hbm4b:s5+s11], $0x40, s14, s11, $0xb8;
	[tilespmem:$0x11300] =	vst v63  }
.LBB2_2:
0x23: {  	_ =	swait.ge [sflag:s16], $0x3200  }
0x24: {  	[sflag:s16] =	ssyncset.done $0x0  }
0x25: {  	s21 =	simm.s32 $0x70;
	[sflag:s16] =	ssyncadd.s32 $0xFFFFCE00  }
0x26: {  	v5 =	vld [tilespmem:s21+$0xE090]  }
0x27: {  	v4 =	vld [tilespmem:s21+$0xE0A0]  }
0x28: {  	v3 =	vld [tilespmem:s21+$0xE0B0]  }
0x29: {  	v2 =	vld [tilespmem:s21+$0xE0C0]  }
0x2a: {  	v1 =	vld [tilespmem:s21+$0xE0D0]  }
0x2b: {  	v0 =	vld [tilespmem:s21+$0xE0E0]  }
0x2c: {  	v6 =	vld [tilespmem:s21+$0x1890]  }
0x2d: {  	v11 =	vld [tilespmem:s21+$0x18A0]  }
0x2e: {  	v10 =	vld [tilespmem:s21+$0x18B0]  }
0x2f: {  	v9 =	vld [tilespmem:s21+$0x18C0]  }
0x30: {  	v8 =	vld [tilespmem:s21+$0x18D0]  }
0x31: {  	v7 =	vld [tilespmem:s21+$0x18E0];
	v12 =	vmul.f32 $8.000000000e+00, v6  }
0x32: {  	s22 =	simm.s32 $0x3C0;
	v11 =	vmul.f32 $8.000000000e+00, v11;
	v6 =	vld [tilespmem:s21+$0x18F0]  }
.LBB2_3:
0x33: {  	p0 =	sne.s32 s22, $0xC7C0;
	v5 =	vadd.f32 v5, v12;
	v10 =	vmul.f32 $8.000000000e+00, v10;
	v12 =	vld [tilespmem:s21+$0x1900]  }
0x34: {  	v4 =	vadd.f32 v4, v11;
	v9 =	vmul.f32 $8.000000000e+00, v9;
	v11 =	vld [tilespmem:s21+$0xE0F0]  }
0x35: {  	s23 =	sshra.s32 s22, $0x2;
	[tilespmem:s21+$0x1890] =	vst v5;
	v3 =	vadd.f32 v3, v10;
	v8 =	vmul.f32 $8.000000000e+00, v8;
	v10 =	vld [tilespmem:s21+$0xE100]  }
0x36: {  	v5 =	vld [tilespmem:s23+$0xE090];
	[tilespmem:s21+$0x18A0] =	vst v4;
	v2 =	vadd.f32 v2, v9;
	v7 =	vmul.f32 $8.000000000e+00, v7  }
0x37: {  	v4 =	vld [tilespmem:s23+$0xE0A0];
	[tilespmem:s21+$0x18B0] =	vst v3;
	v1 =	vadd.f32 v1, v8;
	v6 =	vmul.f32 $8.000000000e+00, v6  }
0x38: {  	v3 =	vld [tilespmem:s23+$0xE0B0];
	[tilespmem:s21+$0x18C0] =	vst v2;
	v0 =	vadd.f32 v0, v7;
	v7 =	vmul.f32 $8.000000000e+00, v12  }
0x39: {  	v2 =	vld [tilespmem:s23+$0xE0C0];
	[tilespmem:s21+$0x18D0] =	vst v1;
	v6 =	vadd.f32 v11, v6  }
0x3a: {  	v1 =	vld [tilespmem:s23+$0xE0D0];
	[tilespmem:s21+$0x18E0] =	vst v0;
	v7 =	vadd.f32 v10, v7  }
0x3b: {  	v0 =	vld [tilespmem:s23+$0xE0E0];
	[tilespmem:s21+$0x18F0] =	vst v6  }
0x3c: {  	v6 =	vld [tilespmem:s23+$0x1890];
	[tilespmem:s21+$0x1900] =	vst v7;
	s21 =	smov.u32 s23  }
0x3d: {  	v11 =	vld [tilespmem:s21+$0x18A0]  }
.Ltmp2:
0x3e: {  	v10 =	vld [tilespmem:s21+$0x18B0];
	(pc) =	sbr.rel @p0 .LBB2_3-.Ltmp2, $4  }
0x3f: {  	v9 =	vld [tilespmem:s21+$0x18C0]  }
0x40: {  	v8 =	vld [tilespmem:s21+$0x18D0]  }
0x41: {  	v12 =	vmul.f32 $8.000000000e+00, v6;
	v7 =	vld [tilespmem:s21+$0x18E0]  }
0x42: {  	s22 =	sadd.s32 $0x200, s22;
	v11 =	vmul.f32 $8.000000000e+00, v11;
	v6 =	vld [tilespmem:s21+$0x18F0]  }
0x43: {  	v5 =	vadd.f32 v5, v12;
	v12 =	vld [tilespmem:s21+$0x1900];
	v10 =	vmul.f32 $8.000000000e+00, v10  }
0x44: {  	v13 =	vld [tilespmem:s21+$0xE0F0];
	v4 =	vadd.f32 v4, v11;
	v9 =	vmul.f32 $8.000000000e+00, v9  }
0x45: {  	[tilespmem:s21+$0x1890] =	vst v5;
	v3 =	vadd.f32 v3, v10;
	v5 =	vmul.f32 $8.000000000e+00, v8;
	v8 =	vld [tilespmem:s21+$0xE100]  }
0x46: {  	[tilespmem:s21+$0x18A0] =	vst v4;
	v2 =	vadd.f32 v2, v9;
	v4 =	vmul.f32 $8.000000000e+00, v7  }
0x47: {  	[tilespmem:s21+$0x18B0] =	vst v3;
	v1 =	vadd.f32 v1, v5;
	v3 =	vmul.f32 $8.000000000e+00, v6  }
0x48: {  	s22 =	sshll.u32 s20, $0x2;
	[tilespmem:s21+$0x18C0] =	vst v2;
	v0 =	vadd.f32 v0, v4;
	v2 =	vmul.f32 $8.000000000e+00, v12  }
0x49: {  	s23 =	sadd.s32 s4, s22;
	[tilespmem:s21+$0x18D0] =	vst v1;
	v1 =	vadd.f32 v13, v3  }
0x4a: {  	s23 =	smul.u32 $0x640, s23;
	[tilespmem:s21+$0x18E0] =	vst v0;
	v0 =	vadd.f32 v8, v2  }
0x4b: {  	p0 =	seq.s32 s20, $0x0;
	[tilespmem:s21+$0x18F0] =	vst v1  }
0x4c: {  	s30 =	sadd.s32 s2, s23;
	s23 =	simm.s32 @!p0 $0x2;
	[tilespmem:s21+$0x1900] =	vst v0;
	s21 =	sshllo.u32 s20, $0x2  }
0x4d: {  	[hbm4b:s30+s3] =	stream.linear.scatter [tilespmem:s12], [sflag:$0x2], $0x3200, $0x38;
	[tilespmem:$0x11300] =	vst v63  }
0x4e: {  	s24 =	smul.u32 $0x320, s21;
	_ =	swait.ge @!p0 [sflag:s23], $0x3200  }
0x4f: {  	[sflag:s23] =	ssyncset.done @!p0 $0x0  }
0x50: {  	s31 =	sshra.s32 s24, $0x2;
	[sflag:s23] =	ssyncadd.s32 @!p0 $0xFFFFCE00  }
0x51: {  	[tilespmem:s17], [sflag:$0x1] =	stream.indirect.gather [hbm4b:s5+s11], $0x40, s31, s11, $0xb8;
	[tilespmem:$0x11300] =	vst v63  }
0x52: {  	_ =	swait.ge [sflag:s16], $0x3200  }
0x53: {  	[sflag:s16] =	ssyncset.done $0x0  }
0x54: {  	s23 =	simm.s32 $0x0;
	[sflag:s16] =	ssyncadd.s32 $0xFFFFCE00  }
0x55: {  	v5 =	vld [tilespmem:s23+$0xE100]  }
0x56: {  	v4 =	vld [tilespmem:s23+$0xE110]  }
0x57: {  	v3 =	vld [tilespmem:s23+$0xE120]  }
0x58: {  	v2 =	vld [tilespmem:s23+$0xE130]  }
0x59: {  	v1 =	vld [tilespmem:s23+$0xE140]  }
0x5a: {  	v0 =	vld [tilespmem:s23+$0xE150]  }
0x5b: {  	v6 =	vld [tilespmem:s23+$0x4B00]  }
0x5c: {  	v11 =	vld [tilespmem:s23+$0x4B10]  }
0x5d: {  	v10 =	vld [tilespmem:s23+$0x4B20]  }
0x5e: {  	v9 =	vld [tilespmem:s23+$0x4B30]  }
0x5f: {  	v8 =	vld [tilespmem:s23+$0x4B40]  }
0x60: {  	v7 =	vld [tilespmem:s23+$0x4B50];
	v12 =	vmul.f32 $8.000000000e+00, v6  }
0x61: {  	s24 =	simm.s32 $0x200;
	v11 =	vmul.f32 $8.000000000e+00, v11;
	v6 =	vld [tilespmem:s23+$0x4B60]  }
.LBB2_5:
0x62: {  	p0 =	sne.s32 s24, $0xC600;
	v5 =	vadd.f32 v5, v12;
	v10 =	vmul.f32 $8.000000000e+00, v10;
	v12 =	vld [tilespmem:s23+$0x4B70]  }
0x63: {  	v4 =	vadd.f32 v4, v11;
	v9 =	vmul.f32 $8.000000000e+00, v9;
	v11 =	vld [tilespmem:s23+$0xE160]  }
0x64: {  	s25 =	sshra.s32 s24, $0x2;
	[tilespmem:s23+$0x4B00] =	vst v5;
	v3 =	vadd.f32 v3, v10;
	v8 =	vmul.f32 $8.000000000e+00, v8;
	v10 =	vld [tilespmem:s23+$0xE170]  }
0x65: {  	v5 =	vld [tilespmem:s25+$0xE100];
	[tilespmem:s23+$0x4B10] =	vst v4;
	v2 =	vadd.f32 v2, v9;
	v7 =	vmul.f32 $8.000000000e+00, v7  }
0x66: {  	v4 =	vld [tilespmem:s25+$0xE110];
	[tilespmem:s23+$0x4B20] =	vst v3;
	v1 =	vadd.f32 v1, v8;
	v6 =	vmul.f32 $8.000000000e+00, v6  }
0x67: {  	v3 =	vld [tilespmem:s25+$0xE120];
	[tilespmem:s23+$0x4B30] =	vst v2;
	v0 =	vadd.f32 v0, v7;
	v7 =	vmul.f32 $8.000000000e+00, v12  }
0x68: {  	v2 =	vld [tilespmem:s25+$0xE130];
	[tilespmem:s23+$0x4B40] =	vst v1;
	v6 =	vadd.f32 v11, v6  }
0x69: {  	v1 =	vld [tilespmem:s25+$0xE140];
	[tilespmem:s23+$0x4B50] =	vst v0;
	v7 =	vadd.f32 v10, v7  }
0x6a: {  	v0 =	vld [tilespmem:s25+$0xE150];
	[tilespmem:s23+$0x4B60] =	vst v6  }
0x6b: {  	v6 =	vld [tilespmem:s25+$0x4B00];
	[tilespmem:s23+$0x4B70] =	vst v7;
	s23 =	smov.u32 s25  }
0x6c: {  	v11 =	vld [tilespmem:s23+$0x4B10]  }
.Ltmp3:
0x6d: {  	v10 =	vld [tilespmem:s23+$0x4B20];
	(pc) =	sbr.rel @p0 .LBB2_5-.Ltmp3, $4  }
0x6e: {  	v9 =	vld [tilespmem:s23+$0x4B30]  }
0x6f: {  	v8 =	vld [tilespmem:s23+$0x4B40]  }
0x70: {  	v12 =	vmul.f32 $8.000000000e+00, v6;
	v7 =	vld [tilespmem:s23+$0x4B50]  }
0x71: {  	s24 =	sadd.s32 $0x200, s24;
	v11 =	vmul.f32 $8.000000000e+00, v11;
	v6 =	vld [tilespmem:s23+$0x4B60]  }
0x72: {  	v5 =	vadd.f32 v5, v12;
	v12 =	vld [tilespmem:s23+$0x4B70];
	v10 =	vmul.f32 $8.000000000e+00, v10  }
0x73: {  	v13 =	vld [tilespmem:s23+$0xE160];
	v4 =	vadd.f32 v4, v11;
	v9 =	vmul.f32 $8.000000000e+00, v9  }
0x74: {  	[tilespmem:s23+$0x4B00] =	vst v5;
	v3 =	vadd.f32 v3, v10;
	v5 =	vmul.f32 $8.000000000e+00, v8;
	v8 =	vld [tilespmem:s23+$0xE170]  }
0x75: {  	[tilespmem:s23+$0x4B10] =	vst v4;
	v2 =	vadd.f32 v2, v9;
	v4 =	vmul.f32 $8.000000000e+00, v7  }
0x76: {  	[tilespmem:s23+$0x4B20] =	vst v3;
	v1 =	vadd.f32 v1, v5;
	v3 =	vmul.f32 $8.000000000e+00, v6  }
0x77: {  	s22 =	sadd.s32 s22, s4;
	[tilespmem:s23+$0x4B30] =	vst v2;
	v0 =	vadd.f32 v0, v4;
	v2 =	vmul.f32 $8.000000000e+00, v12  }
0x78: {  	s22 =	smul.u32 $0x640, s22;
	[tilespmem:s23+$0x4B40] =	vst v1;
	v1 =	vadd.f32 v13, v3  }
0x79: {  	[tilespmem:s23+$0x4B50] =	vst v0;
	v0 =	vadd.f32 v8, v2  }
0x7a: {  	p0 =	seq.s32 s20, $0x7;
	s22 =	sadd.s32 s2, s22;
	[tilespmem:s23+$0x4B60] =	vst v1  }
0x7b: {  	s31 =	sadd.s32 $0x640, s22;
	[tilespmem:s23+$0x4B70] =	vst v0;
	s23 =	simm.s32 @!p0 $0x2  }
0x7c: {  	[hbm4b:s31+s3] =	stream.linear.scatter [tilespmem:s13], [sflag:$0x2], $0x3200, $0x38;
	[tilespmem:$0x11300] =	vst v63  }
0x7d: {  	s24 =	smul.u32 @!p0 $0xC80, s20;
	_ =	swait.ge @!p0 [sflag:s23], $0x3200  }
0x7e: {  	[sflag:s23] =	ssyncset.done @!p0 $0x0  }
0x7f: {  	[sflag:s23] =	ssyncadd.s32 @!p0 $0xFFFFCE00;
	s23 =	sshra.s32 @!p0 s24, $0x2  }
0x80: {  	s25 =	simm.s32 @!p0 $0xC8;
	s26 =	simm.s32 @!p0 $0x1900;
	s24 =	sadd.s32 @!p0 $0x320, s23  }
0x81: {  	[tilespmem:s26], [sflag:$0x1] =	stream.indirect.gather @!p0 [hbm4b:s5+s25], $0x40, s24, s25, $0xb8;
	[tilespmem:$0x11300] =	vst v63  }
0x82: {  	_ =	swait.ge [sflag:s16], $0x3200  }
0x83: {  	[sflag:s16] =	ssyncset.done $0x0  }
0x84: {  	s24 =	simm.s32 $0x0;
	[sflag:s16] =	ssyncadd.s32 $0xFFFFCE00  }
0x85: {  	v5 =	vld [tilespmem:s24+$0xE100]  }
0x86: {  	v4 =	vld [tilespmem:s24+$0xE110]  }
0x87: {  	v3 =	vld [tilespmem:s24+$0xE120]  }
0x88: {  	v2 =	vld [tilespmem:s24+$0xE130]  }
0x89: {  	v1 =	vld [tilespmem:s24+$0xE140]  }
0x8a: {  	v0 =	vld [tilespmem:s24+$0xE150]  }
0x8b: {  	v6 =	vld [tilespmem:s24+$0x7D00]  }
0x8c: {  	v11 =	vld [tilespmem:s24+$0x7D10]  }
0x8d: {  	v10 =	vld [tilespmem:s24+$0x7D20]  }
0x8e: {  	v9 =	vld [tilespmem:s24+$0x7D30]  }
0x8f: {  	v8 =	vld [tilespmem:s24+$0x7D40]  }
0x90: {  	v7 =	vld [tilespmem:s24+$0x7D50];
	v12 =	vmul.f32 $8.000000000e+00, v6  }
0x91: {  	s25 =	simm.s32 $0x200;
	v11 =	vmul.f32 $8.000000000e+00, v11;
	v6 =	vld [tilespmem:s24+$0x7D60]  }
.LBB2_7:
0x92: {  	p1 =	sne.s32 s25, $0xC600;
	v5 =	vadd.f32 v5, v12;
	v10 =	vmul.f32 $8.000000000e+00, v10;
	v12 =	vld [tilespmem:s24+$0x7D70]  }
0x93: {  	v4 =	vadd.f32 v4, v11;
	v9 =	vmul.f32 $8.000000000e+00, v9;
	v11 =	vld [tilespmem:s24+$0xE160]  }
0x94: {  	s26 =	sshra.s32 s25, $0x2;
	[tilespmem:s24+$0x7D00] =	vst v5;
	v3 =	vadd.f32 v3, v10;
	v8 =	vmul.f32 $8.000000000e+00, v8;
	v10 =	vld [tilespmem:s24+$0xE170]  }
0x95: {  	v5 =	vld [tilespmem:s26+$0xE100];
	[tilespmem:s24+$0x7D10] =	vst v4;
	v2 =	vadd.f32 v2, v9;
	v7 =	vmul.f32 $8.000000000e+00, v7  }
0x96: {  	v4 =	vld [tilespmem:s26+$0xE110];
	[tilespmem:s24+$0x7D20] =	vst v3;
	v1 =	vadd.f32 v1, v8;
	v6 =	vmul.f32 $8.000000000e+00, v6  }
0x97: {  	v3 =	vld [tilespmem:s26+$0xE120];
	[tilespmem:s24+$0x7D30] =	vst v2;
	v0 =	vadd.f32 v0, v7;
	v7 =	vmul.f32 $8.000000000e+00, v12  }
0x98: {  	v2 =	vld [tilespmem:s26+$0xE130];
	[tilespmem:s24+$0x7D40] =	vst v1;
	v6 =	vadd.f32 v11, v6  }
0x99: {  	v1 =	vld [tilespmem:s26+$0xE140];
	[tilespmem:s24+$0x7D50] =	vst v0;
	v7 =	vadd.f32 v10, v7  }
0x9a: {  	v0 =	vld [tilespmem:s26+$0xE150];
	[tilespmem:s24+$0x7D60] =	vst v6  }
0x9b: {  	v6 =	vld [tilespmem:s26+$0x7D00];
	[tilespmem:s24+$0x7D70] =	vst v7;
	s24 =	smov.u32 s26  }
0x9c: {  	v11 =	vld [tilespmem:s24+$0x7D10]  }
.Ltmp4:
0x9d: {  	v10 =	vld [tilespmem:s24+$0x7D20];
	(pc) =	sbr.rel @p1 .LBB2_7-.Ltmp4, $4  }
0x9e: {  	v9 =	vld [tilespmem:s24+$0x7D30]  }
0x9f: {  	v8 =	vld [tilespmem:s24+$0x7D40]  }
0xa0: {  	v12 =	vmul.f32 $8.000000000e+00, v6;
	v7 =	vld [tilespmem:s24+$0x7D50]  }
0xa1: {  	s25 =	sadd.s32 $0x200, s25;
	v11 =	vmul.f32 $8.000000000e+00, v11;
	v6 =	vld [tilespmem:s24+$0x7D60]  }
0xa2: {  	v5 =	vadd.f32 v5, v12;
	v12 =	vld [tilespmem:s24+$0x7D70];
	v10 =	vmul.f32 $8.000000000e+00, v10  }
0xa3: {  	v13 =	vld [tilespmem:s24+$0xE160];
	v4 =	vadd.f32 v4, v11;
	v9 =	vmul.f32 $8.000000000e+00, v9  }
0xa4: {  	[tilespmem:s24+$0x7D00] =	vst v5;
	v3 =	vadd.f32 v3, v10;
	v5 =	vmul.f32 $8.000000000e+00, v8;
	v8 =	vld [tilespmem:s24+$0xE170]  }
0xa5: {  	[tilespmem:s24+$0x7D10] =	vst v4;
	v2 =	vadd.f32 v2, v9;
	v4 =	vmul.f32 $8.000000000e+00, v7  }
0xa6: {  	[tilespmem:s24+$0x7D20] =	vst v3;
	v1 =	vadd.f32 v1, v5;
	v3 =	vmul.f32 $8.000000000e+00, v6  }
0xa7: {  	[tilespmem:s24+$0x7D30] =	vst v2;
	v0 =	vadd.f32 v0, v4;
	v2 =	vmul.f32 $8.000000000e+00, v12  }
0xa8: {  	[tilespmem:s24+$0x7D40] =	vst v1;
	v1 =	vadd.f32 v13, v3  }
0xa9: {  	[tilespmem:s24+$0x7D50] =	vst v0;
	v0 =	vadd.f32 v8, v2  }
0xaa: {  	[tilespmem:s24+$0x7D60] =	vst v1  }
0xab: {  	s22 =	sadd.s32 $0xC80, s22;
	[tilespmem:s24+$0x7D70] =	vst v0  }
0xac: {  	[hbm4b:s22+s3] =	stream.linear.scatter [tilespmem:s15], [sflag:$0x2], $0x3200, $0x38;
	[tilespmem:$0x11300] =	vst v63  }
0xad: {  	s22 =	simm.s32 @!p0 $0x2  }
0xae: {  	_ =	swait.ge @!p0 [sflag:s22], $0x3200  }
0xaf: {  	s24 =	simm.s32 @!p0 $0x4B00;
	[sflag:s22] =	ssyncset.done @!p0 $0x0  }
0xb0: {  	[sflag:s22] =	ssyncadd.s32 @!p0 $0xFFFFCE00;
	s22 =	sadd.s32 @!p0 $0x3E8, s23;
	s23 =	simm.s32 @!p0 $0xC8  }
0xb1: {  	[tilespmem:s24], [sflag:$0x1] =	stream.indirect.gather @!p0 [hbm4b:s5+s23], $0x40, s22, s23, $0xb8;
	[tilespmem:$0x11300] =	vst v63  }
0xb2: {  	_ =	swait.ge [sflag:s16], $0x3200  }
0xb3: {  	[sflag:s16] =	ssyncset.done $0x0  }
0xb4: {  	s22 =	simm.s32 $0x0;
	[sflag:s16] =	ssyncadd.s32 $0xFFFFCE00  }
0xb5: {  	v5 =	vld [tilespmem:s22+$0xE100]  }
0xb6: {  	v4 =	vld [tilespmem:s22+$0xE110]  }
0xb7: {  	v3 =	vld [tilespmem:s22+$0xE120]  }
0xb8: {  	v2 =	vld [tilespmem:s22+$0xE130]  }
0xb9: {  	v1 =	vld [tilespmem:s22+$0xE140]  }
0xba: {  	v0 =	vld [tilespmem:s22+$0xE150]  }
0xbb: {  	v6 =	vld [tilespmem:s22+$0xAF00]  }
0xbc: {  	v11 =	vld [tilespmem:s22+$0xAF10]  }
0xbd: {  	v10 =	vld [tilespmem:s22+$0xAF20]  }
0xbe: {  	v9 =	vld [tilespmem:s22+$0xAF30]  }
0xbf: {  	v8 =	vld [tilespmem:s22+$0xAF40]  }
0xc0: {  	v7 =	vld [tilespmem:s22+$0xAF50];
	v12 =	vmul.f32 $8.000000000e+00, v6  }
0xc1: {  	s23 =	simm.s32 $0x200;
	v11 =	vmul.f32 $8.000000000e+00, v11;
	v6 =	vld [tilespmem:s22+$0xAF60]  }
.LBB2_9:
0xc2: {  	p1 =	sne.s32 s23, $0xC600;
	v5 =	vadd.f32 v5, v12;
	v10 =	vmul.f32 $8.000000000e+00, v10;
	v12 =	vld [tilespmem:s22+$0xAF70]  }
0xc3: {  	v4 =	vadd.f32 v4, v11;
	v9 =	vmul.f32 $8.000000000e+00, v9;
	v11 =	vld [tilespmem:s22+$0xE160]  }
0xc4: {  	s24 =	sshra.s32 s23, $0x2;
	[tilespmem:s22+$0xAF00] =	vst v5;
	v3 =	vadd.f32 v3, v10;
	v8 =	vmul.f32 $8.000000000e+00, v8;
	v10 =	vld [tilespmem:s22+$0xE170]  }
0xc5: {  	v5 =	vld [tilespmem:s24+$0xE100];
	[tilespmem:s22+$0xAF10] =	vst v4;
	v2 =	vadd.f32 v2, v9;
	v7 =	vmul.f32 $8.000000000e+00, v7  }
0xc6: {  	v4 =	vld [tilespmem:s24+$0xE110];
	[tilespmem:s22+$0xAF20] =	vst v3;
	v1 =	vadd.f32 v1, v8;
	v6 =	vmul.f32 $8.000000000e+00, v6  }
0xc7: {  	v3 =	vld [tilespmem:s24+$0xE120];
	[tilespmem:s22+$0xAF30] =	vst v2;
	v0 =	vadd.f32 v0, v7;
	v7 =	vmul.f32 $8.000000000e+00, v12  }
0xc8: {  	v2 =	vld [tilespmem:s24+$0xE130];
	[tilespmem:s22+$0xAF40] =	vst v1;
	v6 =	vadd.f32 v11, v6  }
0xc9: {  	v1 =	vld [tilespmem:s24+$0xE140];
	[tilespmem:s22+$0xAF50] =	vst v0;
	v7 =	vadd.f32 v10, v7  }
0xca: {  	v0 =	vld [tilespmem:s24+$0xE150];
	[tilespmem:s22+$0xAF60] =	vst v6  }
0xcb: {  	v6 =	vld [tilespmem:s24+$0xAF00];
	[tilespmem:s22+$0xAF70] =	vst v7;
	s22 =	smov.u32 s24  }
0xcc: {  	v11 =	vld [tilespmem:s22+$0xAF10]  }
.Ltmp5:
0xcd: {  	v10 =	vld [tilespmem:s22+$0xAF20];
	(pc) =	sbr.rel @p1 .LBB2_9-.Ltmp5, $4  }
0xce: {  	v9 =	vld [tilespmem:s22+$0xAF30]  }
0xcf: {  	v8 =	vld [tilespmem:s22+$0xAF40]  }
0xd0: {  	v12 =	vmul.f32 $8.000000000e+00, v6;
	v7 =	vld [tilespmem:s22+$0xAF50]  }
0xd1: {  	s23 =	sadd.s32 $0x200, s23;
	v11 =	vmul.f32 $8.000000000e+00, v11;
	v6 =	vld [tilespmem:s22+$0xAF60]  }
0xd2: {  	v5 =	vadd.f32 v5, v12;
	v56 =	vld [tilespmem:s22+$0xAF70];
	v10 =	vmul.f32 $8.000000000e+00, v10  }
0xd3: {  	v13 =	vld [tilespmem:s22+$0xE160];
	v4 =	vadd.f32 v4, v11;
	v9 =	vmul.f32 $8.000000000e+00, v9  }
0xd4: {  	v58 =	vld [tilespmem:s22+$0xE170];
	[tilespmem:s22+$0xAF00] =	vst v5;
	v3 =	vadd.f32 v3, v10;
	v57 =	vmul.f32 $8.000000000e+00, v8  }
0xd5: {  	[tilespmem:s22+$0xAF10] =	vst v4;
	v2 =	vadd.f32 v2, v9;
	v59 =	vmul.f32 $8.000000000e+00, v7  }
0xd6: {  	[tilespmem:s22+$0xAF20] =	vst v3;
	v1 =	vadd.f32 v1, v57;
	v60 =	vmul.f32 $8.000000000e+00, v6  }
0xd7: {  	[tilespmem:s22+$0xAF30] =	vst v2;
	v0 =	vadd.f32 v0, v59;
	v61 =	vmul.f32 $8.000000000e+00, v56  }
0xd8: {  	s21 =	sadd.s32 s4, s21;
	[tilespmem:s22+$0xAF40] =	vst v1;
	v62 =	vadd.f32 v13, v60  }
0xd9: {  	s21 =	smul.u32 $0x640, s21;
	[tilespmem:s22+$0xAF50] =	vst v0;
	v63 =	vadd.f32 v58, v61  }
0xda: {  	[tilespmem:s22+$0xAF60] =	vst v62  }
.Ltmp6:
0xdb: {  	s21 =	sadd.s32 s2, s21;
	[tilespmem:s22+$0xAF70] =	vst v63;
	(pc) =	sbr.rel @p0 .LBB2_12-.Ltmp6, $4  }
0xdc: {  	[hbm4b:s21+s3] =	stream.linear.scatter [tilespmem:s17], [sflag:$0x2], $0x3200, $0x38;
	[tilespmem:$0x11300] =	vst v63  }
0xdd: {  	_ =	swait.ge [sflag:s18], $0x3200  }
0xde: {  	[sflag:s18] =	ssyncset.done $0x0  }
0xdf: {  	[sflag:s18] =	ssyncadd.s32 $0xFFFFCE00  }
0xe0: {  	s21 =	smul.u32 $0xC80, s20  }
.Ltmp7:
0xe1: {  	_ = 	snop;
	(pc) =	sbr.rel .LBB2_2-.Ltmp7, $4  }
0xe2: {  	_ = 	snop  }
0xe3: {  	s21 =	sshra.s32 s21, $0x2  }
0xe4: {  	s20 =	sadd.s32 $0x1, s20;
	s21 =	sadd.s32 $0x4B0, s21  }
0xe5: {  	[tilespmem:s15], [sflag:$0x1] =	stream.indirect.gather [hbm4b:s5+s11], $0x40, s21, s11, $0xb8;
	[tilespmem:$0x11300] =	vst v63  }
.LBB2_13:
0xe6: {  	_ =	sfence.sel $0x180000  }
0xe7: {  	[bflag:$0x0] =	sbarrier.arrive $0xFFFF  }
0xe8: {  	p0 =	sne.s32 s0, $0x0;
	_ =	strace $0x90000047  }
0xe9: {  	s0 =	sadd.s32 @!p0 $0x100000, s1;
	[bflag:$0x2] =	sbarrier.arrive $0xFFFF  }
0xea: {  	[sflag:s0] =	ssyncadd.tile.s32 @!p0 $0x1;
	_ =	shalt  }
.Lfunc_end2:
_tile_overlayer_lowered:
.L_overlay_start_2:
0xeb: {  	(tag) =	ssettag $0x2  }
0xec: {  	s0 =	rddreg [dreg:$0x0];
	s2 =	stileid.u32  }
0xed: {  	s1 =	rddreg [dreg:$0x1];
	p0 =	sne.s32 s2, $0x0  }
0xee: {  	s3 =	rddreg [dreg:$0x2];
	[bflag:$0x3] =	sbarrier.arrive $0xFFFF;
	s2 =	simm.s32 @!p0 $0x1C03  }
0xef: {  	[timem:s3], [sflag:s2] =	dma.local @!p0 [hbm:s0], s1  }
0xf0: {  	s0 =	simm.s32 @!p0 $0x3  }
0xf1: {  	_ =	swait.ge @!p0 [sflag:s0], s1  }
0xf2: {  	s1 =	ssub.s32 @!p0 $0x0, s1;
	[sflag:s0] =	ssyncset.done @!p0 $0x0  }
0xf3: {  	[sflag:s0] =	ssyncadd.s32 @!p0 s1  }
0xf4: {  	[bflag:$0x3] =	sbarrier.arrive $0xFFFF  }
0xf5: {  	_ =	shalt  }

// kernel: sparse-core-data-format-call.cloned.1.call-start
scs
called_computation_lowered:
.L_overlay_start_0:
0x0: {  	s2 =	sld [smem:$0x3FD9]  }
0x1: {  	s3 =	sld [smem:$0x3FFE];
	_ =	sdelay $0x1  }
0x2: {  	s1 =	srdreg.scid  }
0x3: {  	s0 =	sand.u32 $0x1, s1  }
0x4: {  	s18 =	sshll.u32 s0, $0xA;
	s2 =	sadd.s32 s3, s2  }
0x5: {  	s2 =	sadd.s32 s2, s18  }
0x6: {  	[smem:$0x3FC5] =	sst s2  }
0x7: {  	_ = 	snop  }
0x8: {  	s2 =	sld [smem:$0x3FD0];
	(tm) =	ssettm $0x1  }
0x9: {  	s19 =	sld [smem:$0x3FFB];
	_ =	sdelay $0x3  }
0xa: {  	_ =	strace s19  }
0xb: {  	s3 =	sld [smem:$0x3FFC];
	_ =	sdelay $0x3  }
0xc: {  	_ =	strace s3  }
0xd: {  	s3 =	sld [smem:$0x3FFD];
	_ =	sdelay $0x3  }
0xe: {  	_ =	strace s3  }
0xf: {  	_ =	strace $0x8FFFFFFF  }
0x10: {  	s20 =	sld [smem:$0x3FDB];
	_ =	sdelay $0x1  }
0x11: {  	s4 =	simm.s32 $_scs_section_size  }
0x12: {  	s5 =	simm.s32 $_size__tile_overlayer_lowered;
	s6 =	simm.s32 $_tile_overlayer_lowered  }
0x13: {  	s23 =	simm.s32 $0x1BFF;
	s22 =	sshll.u32 s6, $0x1;
	s3 =	sadd.s32 s4, s20  }
0x14: {  	s7 =	simm.s32 $0x0;
	s21 =	sshll.u32 s5, $0x1;
	s5 =	sadd.s32 s22, s3  }
0x15: {  	[timem:s7], [sflag:s23] =	dma.local [hbm:s5], s21  }
0x16: {  	_ =	swait.ge [sflag:s23], s21  }
0x17: {  	s4 =	ssub.s32 $0x0, s21;
	[sflag:s23] =	ssyncset.done $0x0  }
0x18: {  	[sflag:s23] =	ssyncadd.s32 s4;
	_ =	sdelay $0x1  }
0x19: {  	s24 =	simm.s32 $0x1B8B  }
0x1a: {  	_ =	swait.ge [sflag:s24], $0x1  }
0x1b: {  	[sflag:s24] =	ssyncset.done $0x0  }
0x1c: {  	s26 =	simm.s32 $0x1B8E;
	s25 =	sld [smem:$0x3FFE];
	[sflag:s24] =	ssyncadd.s32 $0xFFFFFFFF  }
0x1d: {  	s27 =	simm.s32 $execute0_lowered;
	[smem:$0x3FD2] =	sst s26  }
0x1e: {  	s5 =	sshll.u32 s27, $0x1;
	_ =	strace $0x80000049;
	[dreg:$0x1] =	wrdreg $0xFFFFFFFF  }
0x1f: {  	s28 =	simm.s32 $_size_execute0_lowered;
	s3 =	sadd.s32 s3, s5;
	[dreg:$0x0] =	wrdreg $0x0  }
0x20: {  	s5 =	sshll.u32 s28, $0x1;
	[dreg:$0x2] =	wrdreg s3  }
0x21: {  	[dreg:$0x3] =	wrdreg s5  }
0x22: {  	[dreg:$0x4] =	wrdreg $0xC0  }
0x23: {  	_ =	task [dreg:s7], $0x5FFFF  }
0x24: {  	[dreg:$0x1] =	wrdreg $0xFFFFFFFF  }
0x25: {  	[dreg:$0x0] =	wrdreg $0x60  }
0x26: {  	[dreg:$0x2] =	wrdreg s25  }
0x27: {  	[dreg:$0x3] =	wrdreg s2  }
0x28: {  	[dreg:$0x4] =	wrdreg $0x9  }
0x29: {  	_ =	task.clear_ibuf [dreg:s7], $0x5FFFF;
	_ =	strace $0x90000049  }
0x2a: {  	s29 =	simm.s32 $0x9;
	_ =	strace $0x8000004B  }
0x2b: {  	_ =	swait.ge [sflag:s29], $0x1  }
0x2c: {  	[sflag:s29] =	ssyncadd.s32 $0xFFFFFFFF  }
0x2d: {  	_ =	strace $0x9000004B  }
0x2e: {  	_ =	sfence  }
0x2f: {  	s30 =	sld [smem:$0x0];
	_ =	sdelay $0x2  }
0x30: {  	s31 =	sshll.u32 s1, $0xD;
	s1 =	sshrl.u32 s1, $0x2  }
0x31: {  	s3 =	sand.u32 $0x4000, s31;
	s1 =	sadd.s32 s1, s30  }
0x32: {  	s0 =	sor.u32 s3, s0;
	s1 =	sshll.u32 s1, $0x11  }
0x33: {  	s0 =	sor.u32 s1, s0  }
0x34: {  	s0 =	sadd.s32 $0x8F2B, s0  }
0x35: {  	[sflag:s0] =	ssyncadd.remote.s32 $0x1  }
0x36: {  	_ =	sfence.sel $0xFFFF  }
0x37: {  	[dreg:$0x0] =	wrdreg $0xFFFFFFFF;
	(pc) =	sbr.abs _section_cstart, $3  }
0x38: {  	[dreg:$0x1] =	wrdreg $0xFFFFFFFF  }
0x39: {  	_ =	task.clear_ibuf [dreg:s7], $0x2FFFF;
	_ =	strace $0x9FFFFFFF  }
0x3a: {  	(tm) =	ssettm $0x7FFFFFFF  }
0x3b: {  	_ =	shalt  }
tec
execute0_lowered:
.L_overlay_start_1:
0x0: {  	(tag) =	ssettag $0x1  }
0x1: {  	s0 =	stileid.u32;
	s6 =	rddreg [dreg:$0x0]  }
0x2: {  	s2 =	rddreg [dreg:$0x1];
	s5 =	srdreg.scid  }
0x3: {  	s31 =	simm.s32 $0x2;
	s13 =	simm.s32 $0x0;
	s1 =	sshll.u32 s0, $0x7  }
0x4: {  	s14 =	simm.s32 $0x0;
	s12 =	simm.s32 $0x0;
	s3 =	sand.u32 $0x380, s1  }
0x5: {  	s5 =	sshll.u32 s5, $0x4;
	s6 =	sadd.s32 $0xC00, s6;
	s4 =	ssub.s32 $0x400, s3  }
0x6: {  	s1 =	rddreg [dreg:$0x2];
	_ =	strace $0x8000004A;
	s7 =	sand.u32 $0x380, s4  }
0x7: {  	s5 =	sand.u32 $0x10, s5;
	p0 =	sne.s32 s7, $0x0;
	s7 =	simm.s32 $0x1  }
.Ltmp0:
0x8: {  	s8 =	sshrl.u32 s4, $0xA;
	s7 =	simm.s32 @!p0 $0x0;
	(pc) =	sbr.rel .LBB1_1-.Ltmp0, $4  }
0x9: {  	s9 =	sor.u32 s0, s5;
	s4 =	simm.s32 $0x1;
	s30 =	sadd.s32 s7, s8  }
0xa: {  	s11 =	smov.u32 s3;
	[sflag:s4] =	ssyncpa.u1 $0x0;
	s5 =	smul.u32 $0x32, s30  }
0xb: {  	[sflag:s31] =	ssyncpa.u1 $0x0;
	p0 =	por $0x0, $0x0;
	s7 =	sshrl.u32 s9, $0x3  }
0xc: {  	s9 =	simm.s32 $0x2000;
	s10 =	smov.u32 s7;
	s8 =	sor.u32 $0x1, s5  }
.LBB1_4:
0xd: {  	s17 =	sand.u32 $0x1F80, s14;
	s13 =	sshll.u32 s13, $0xD  }
0xe: {  	[tilespmem:s16+$0x810 ss:$0x81] =	vst.msk $0xffff, v2;
	s18 =	sshrl.u32 s14, $0x3;
	s31 =	sand.u32 $0x7, s14;
	s17 =	sadd.s32 s2, s17  }
0xf: {  	[tilespmem:s16+$0x1020 ss:$0x81] =	vst.msk $0xffff, v0;
	s18 =	sand.u32 $0xF, s18;
	s14 =	sshll.u32 s31, $0x12;
	s13 =	sadd.s32 s13, s17  }
0x10: {  	[tilespmem:s16+$0x0 ss:$0x81] =	vst.msk $0xffff, v1;
	s14 =	sor.u32 $0x400, s14;
	s13 =	sadd.s32 s18, s13  }
0x11: {  	[hbm4b:s13+s14] =	stream.strided.scatter [tilespmem:s15], [sflag:$0x2], $0x2000, s9, s14, $0x20;
	[tilespmem:$0x8080] =	vst v63  }
.LBB1_5:
0x12: {  	s15 =	sadd.s32 $0x4, s10  }
0x13: {  	s13 =	sadd.s32 $0x400, s11;
	s17 =	smov.u32 s11;
	p2 =	sgt.s32 s15, $0xC7  }
0x14: {  	s17 =	smov.u32 @p2 s13  }
0x15: {  	s15 =	smov.u32 @p2 s7;
	p2 =	sgt.s32 s17, $0x3FF  }
0x16: {  	s17 =	smov.u32 @p2 s3;
	p2 =	sne.s32 s12, s8  }
.Ltmp1:
0x17: {  	p1 =	slt.u32 s12, $0x2;
	(pc) =	sbr.rel @!p2 .LBB1_6-.Ltmp1, $4  }
0x18: {  	s16 =	simm.s32 @!p1 $0x2  }
0x19: {  	s14 =	smov.u32 s11;
	p0 =	por !p0, !p0;
	_ =	swait.ge @!p1 [sflag:s16], $0x2000  }
0x1a: {  	s13 =	smov.u32 s10;
	[sflag:s16] =	ssyncset.done @!p1 $0x0;
	s10 =	smov.u32 s15  }
0x1b: {  	s12 =	sadd.s32 $0x1, s12;
	[sflag:s16] =	ssyncadd.s32 @!p1 $0xFFFFE000;
	s11 =	smov.u32 s17  }
.LBB1_1:
0x1c: {  	p1 =	sge.u32 s12, s5  }
0x1d: {  	s15 =	sand.u32 @!p1 $0x1FFFFFF, s10  }
0x1e: {  	s16 =	smulhi.u32 @!p1 $0x147AE15, s15;
	_ =	sdelay $0x1  }
0x1f: {  	s16 =	smul.u32 @!p1 $0xC8, s16  }
0x20: {  	s17 =	sxor.u32 @!p1 $0xFFFFFFFF, s12;
	s18 =	smul.u32 @!p1 $0xC80, s11  }
0x21: {  	s31 =	sadd.s32 $0xFFFFFFFF, s12;
	s17 =	sshll.u32 @!p1 s17, $0xD;
	s15 =	ssub.s32 @!p1 s15, s16  }
0x22: {  	s16 =	sand.u32 @!p1 $0x2000, s17;
	s17 =	sadd.s32 @!p1 s6, s18;
	s15 =	sshll.u32 @!p1 s15, $0x4  }
0x23: {  	s18 =	simm.s32 @!p1 $0x6400;
	s15 =	sadd.s32 @!p1 s15, s17;
	s17 =	simm.s32 @!p1 $0x40  }
0x24: {  	[tilespmem:s16], [sflag:$0x1] =	stream.strided.gather @!p1 [hbm4b:s15+s17], $0x2000, s18, s17, $0x38;
	[tilespmem:$0x8080] =	vst v63  }
0x25: {  	p1 =	sge.u32 s31, s5  }
.Ltmp2:
0x26: {  	_ = 	snop;
	(pc) =	sbr.rel @p1 .LBB1_5-.Ltmp2, $1  }
0x27: {  	_ =	sdelay $0x3  }
0x28: {  	s15 =	simm.s32 $0x1  }
0x29: {  	_ =	swait.ge [sflag:s4], $0x2000;
	s15 =	simm.s32 @!p0 $0x0  }
0x2a: {  	[sflag:s4] =	ssyncset.done $0x0;
	s16 =	sshll.u32 s15, $0xD  }
0x2b: {  	[sflag:s4] =	ssyncadd.s32 $0xFFFFE000;
	s19 =	sor.u32 $0x20, s16  }
0x2c: {  	s15 =	smul.u32 $0x8100, s15;
	v3 =	vld [tilespmem:s19+$0x10]  }
0x2d: {  	s30 =	sand.u32 $0x1, s12;
	v2 =	vld [tilespmem:s19+$0xFFFFFFF0]  }
0x2e: {  	s16 =	smul.u32 $0x8100, s30;
	s15 =	sshrl.u32 s15, $0x2;
	v0 =	vld [tilespmem:s19+$0x0]  }
0x2f: {  	v1 =	vld [tilespmem:s19+$0xFFFFFFE0];
	s17 =	sor.u32 $0x4000, s15  }
0x30: {  	s31 =	sshrl.u32 s16, $0x2;
	s16 =	sadd.s32 $0x0, s17  }
0x31: {  	s18 =	simm.s32 $0x4;
	s19 =	sadd.s32 $0x40, s19;
	s15 =	sor.u32 $0x4000, s31;
	[tilespmem:s16+$0x1830 ss:$0x81] =	vst.msk $0xffff, v3  }
.LBB1_3:
0x32: {  	v3 =	vld [tilespmem:s19+$0x10];
	p1 =	sne.s32 s18, $0x1FC;
	[tilespmem:s16+$0x810 ss:$0x81] =	vst.msk $0xffff, v2;
	s20 =	smov.u32 s18;
	s18 =	sadd.s32 $0x4, s18  }
.Ltmp3:
0x33: {  	v2 =	vld [tilespmem:s19+$0xFFFFFFF0];
	[tilespmem:s16+$0x1020 ss:$0x81] =	vst.msk $0xffff, v0;
	(pc) =	sbr.rel @p1 .LBB1_3-.Ltmp3, $4  }
0x34: {  	v0 =	vld [tilespmem:s19+$0x0];
	[tilespmem:s16+$0x0 ss:$0x81] =	vst.msk $0xffff, v1  }
0x35: {  	s16 =	sshra.s32 s20, $0x2;
	v1 =	vld [tilespmem:s19+$0xFFFFFFE0]  }
0x36: {  	s16 =	sadd.s32 s16, s17  }
0x37: {  	s19 =	sadd.s32 $0x40, s19;
	[tilespmem:s16+$0x1830 ss:$0x81] =	vst.msk $0xffff, v3  }
.Ltmp4:
0x38: {  	_ = 	snop;
	(pc) =	sbr.rel .LBB1_4-.Ltmp4, $1  }
0x39: {  	_ =	sdelay $0x3  }
.LBB1_6:
0x3a: {  	_ =	sfence.sel $0x180000  }
0x3b: {  	s2 =	simm.s32 $0x1;
	[bflag:$0x0] =	sbarrier.arrive $0xFFFF  }
0x3c: {  	s31 =	simm.s32 $0x2;
	[sflag:s2] =	ssyncpa.u1 $0x1  }
0x3d: {  	[sflag:s31] =	ssyncpa.u1 $0x1  }
0x3e: {  	p0 =	sne.s32 s0, $0x0;
	_ =	strace $0x9000004A  }
0x3f: {  	s0 =	sadd.s32 @!p0 $0x100000, s1;
	[bflag:$0x2] =	sbarrier.arrive $0xFFFF  }
0x40: {  	[sflag:s0] =	ssyncadd.tile.s32 @!p0 $0x1;
	_ =	shalt  }
.Lfunc_end1:
_tile_overlayer_lowered:
.L_overlay_start_2:
0x41: {  	(tag) =	ssettag $0x2  }
0x42: {  	s0 =	rddreg [dreg:$0x0];
	s2 =	stileid.u32  }
0x43: {  	s1 =	rddreg [dreg:$0x1];
	p0 =	sne.s32 s2, $0x0  }
0x44: {  	s3 =	rddreg [dreg:$0x2];
	[bflag:$0x3] =	sbarrier.arrive $0xFFFF;
	s2 =	simm.s32 @!p0 $0x1C01  }
0x45: {  	[timem:s3], [sflag:s2] =	dma.local @!p0 [hbm:s0], s1  }
0x46: {  	s0 =	simm.s32 @!p0 $0x1  }
0x47: {  	_ =	swait.ge @!p0 [sflag:s0], s1  }
0x48: {  	s1 =	ssub.s32 @!p0 $0x0, s1;
	[sflag:s0] =	ssyncset.done @!p0 $0x0  }
0x49: {  	[sflag:s0] =	ssyncadd.s32 @!p0 s1  }
0x4a: {  	[bflag:$0x3] =	sbarrier.arrive $0xFFFF  }
0x4b: {  	_ =	shalt  }

</sc_bundles>
